<compile_context>
chip_gen: v7x
topology: tpu7x:2x2x1
jax: 0.10.2.dev20260603
libtpu: 0.0.44.dev20260713+nightly
codegen_flags: <defaults>
</compile_context>

<pallas_src>
import functools

import jax
import jax.numpy as jnp
from jax import lax
from jax.experimental import pallas as pl
from jax.experimental.pallas import tpu as pltpu
from jax.experimental.pallas import tpu_sc as plsc

_N0, _N1, _N2 = 10000, 4000, 1000
_E1, _E2 = 320000, 64000
_IN_F, _H_F, _N_CLS = 128, 256, 64

_NC, _NS = 2, 16
_NW = _NC * _NS
_K = 128


def _cdiv(a, b):
    return (a + b - 1) // b


def _make_edge_agg(width, ca, cb, acc_rows):
    rows_per_tile = acc_rows // _NS
    cmax = max(ca, cb)
    mesh = plsc.VectorSubcoreMesh(core_axis_name="c", subcore_axis_name="s")

    @functools.partial(
        pl.kernel,
        out_type=jax.ShapeDtypeStruct((_NC, acc_rows, width), jnp.float32),
        mesh=mesh,
        scratch_types=[
            pltpu.VMEM((cmax, _K), jnp.int32),
            pltpu.VMEM((cmax, _K), jnp.int32),
            pltpu.VMEM((_K, width), jnp.float32),
            pltpu.VMEM_SHARED((acc_rows, width), jnp.float32),
            pltpu.SemaphoreType.DMA,
        ],
        compiler_params=pltpu.CompilerParams(use_tc_tiling_on_sc=False),
    )
    def agg(table_hbm, srca_hbm, dsta_hbm, srcb_hbm, dstb_hbm, out_hbm,
            idxs_v, idxd_v, rows0_v, acc_sh, sem0):
        cid = lax.axis_index("c")
        sid = lax.axis_index("s")

        def _zrow(r, _):
            def _zcol(c, _):
                rows0_v[r, pl.ds(c * 16, 16)] = jnp.zeros((16,), jnp.float32)
                return ()
            return lax.fori_loop(0, width // 16, _zcol, ())
        lax.fori_loop(0, _K, _zrow, ())
        base = sid * rows_per_tile
        def _zacc(i, _):
            pltpu.sync_copy(rows0_v, acc_sh.at[pl.ds(base + i * _K, _K)])
            return ()
        lax.fori_loop(0, rows_per_tile // _K, _zacc, ())
        if rows_per_tile % _K:
            pltpu.sync_copy(
                rows0_v.at[pl.ds(0, rows_per_tile % _K)],
                acc_sh.at[pl.ds(base + (rows_per_tile // _K) * _K,
                                rows_per_tile % _K)])
        plsc.subcore_barrier()

        @pl.when(cid == 0)
        def _():
            pltpu.sync_copy(srca_hbm.at[sid], idxs_v.at[pl.ds(0, ca)])
            pltpu.sync_copy(dsta_hbm.at[sid], idxd_v.at[pl.ds(0, ca)])

        @pl.when(cid == 1)
        def _():
            pltpu.sync_copy(srcb_hbm.at[sid], idxs_v.at[pl.ds(0, cb)])
            pltpu.sync_copy(dstb_hbm.at[sid], idxd_v.at[pl.ds(0, cb)])

        nloc = jnp.where(cid == 0, ca, cb)

        def body(j, _):
            pltpu.async_copy(table_hbm.at[idxs_v.at[j]], rows0_v, sem0).wait()
            pltpu.sync_copy(rows0_v, acc_sh.at[idxd_v.at[j]], add=True)
            return ()
        lax.fori_loop(0, nloc, body, ())

        plsc.subcore_barrier()
        pltpu.sync_copy(acc_sh.at[pl.ds(base, rows_per_tile)],
                        out_hbm.at[cid, pl.ds(base, rows_per_tile)])

    return agg


def _pad_edges_single(src, dst, nchunks, junk_dst, acc_rows, k):
    e = src.shape[0]
    pad = _NS * nchunks * k - e
    src = jnp.concatenate([src, jnp.zeros((pad,), jnp.int32)])
    junk = junk_dst + jnp.arange(pad, dtype=jnp.int32) % (acc_rows - junk_dst)
    dst = jnp.concatenate([dst, junk])
    return src.reshape(_NS, nchunks, k), dst.reshape(_NS, nchunks, k)


def _split_edges(src, dst, ca, cb, junk_dst, acc_rows):
    e = src.shape[0]
    pad = _NS * (ca + cb) * _K - e
    src = jnp.concatenate([src, jnp.zeros((pad,), jnp.int32)])
    junk = junk_dst + jnp.arange(pad, dtype=jnp.int32) % (acc_rows - junk_dst)
    dst = jnp.concatenate([dst, junk])
    na = _NS * ca * _K
    return (src[:na].reshape(_NS, ca, _K), dst[:na].reshape(_NS, ca, _K),
            src[na:].reshape(_NS, cb, _K), dst[na:].reshape(_NS, cb, _K))


_C1A, _C1B = 90, 67
_K2 = 512
_C2 = 8
_G1 = _IN_F + 16
_G2 = _N_CLS + 16
_ACC1 = 4096
_ACC2 = 1024

_agg1 = _make_edge_agg(_G1, _C1A, _C1B, _ACC1)


def _bcast0(v):
    dn = lax.GatherDimensionNumbers(
        offset_dims=(), collapsed_slice_dims=(0,), start_index_map=(0,))
    return lax.gather(v, jnp.zeros((16, 1), jnp.int32), dn, slice_sizes=(1,),
                      mode=lax.GatherScatterMode.PROMISE_IN_BOUNDS)


def _make_agg2_final():
    rpt = _ACC2 // _NS
    mesh = plsc.VectorSubcoreMesh(core_axis_name="c", subcore_axis_name="s")

    @functools.partial(
        pl.kernel,
        out_type=jax.ShapeDtypeStruct((_ACC2, _N_CLS), jnp.float32),
        mesh=mesh,
        scratch_types=[
            pltpu.VMEM((_C2, _K2), jnp.int32),
            pltpu.VMEM((_C2, _K2), jnp.int32),
            pltpu.VMEM((_K2, _G2), jnp.float32),
            pltpu.VMEM((rpt, _N_CLS), jnp.float32),
            pltpu.VMEM((rpt, _G2), jnp.float32),
            pltpu.VMEM((rpt, _N_CLS), jnp.float32),
            pltpu.VMEM((_N_CLS,), jnp.float32),
            pltpu.VMEM_SHARED((_ACC2, _G2), jnp.float32),
            pltpu.SemaphoreType.DMA,
        ],
        compiler_params=pltpu.CompilerParams(use_tc_tiling_on_sc=False),
    )
    def agg2(table_hbm, src_hbm, dst_hbm, hs_hbm, b2_hbm, out_hbm,
             idxs_v, idxd_v, rows_v, hs_v, acc_v, out_v, b2_v, acc_sh, sem0):
        cid = lax.axis_index("c")
        sid = lax.axis_index("s")

        @pl.when(cid == 0)
        def _():
            base = sid * rpt

            def _zrow(r, _):
                def _zcol(c, _):
                    rows_v[r, pl.ds(c * 16, 16)] = jnp.zeros((16,), jnp.float32)
                    return ()
                return lax.fori_loop(0, _G2 // 16, _zcol, ())
            lax.fori_loop(0, rpt, _zrow, ())
            pltpu.sync_copy(rows_v.at[pl.ds(0, rpt)],
                            acc_sh.at[pl.ds(base, rpt)])
            plsc.subcore_barrier()

            pltpu.sync_copy(src_hbm.at[sid], idxs_v)
            pltpu.sync_copy(dst_hbm.at[sid], idxd_v)

            def body(j, _):
                pltpu.async_copy(table_hbm.at[idxs_v.at[j]], rows_v,
                                 sem0).wait()
                pltpu.sync_copy(rows_v, acc_sh.at[idxd_v.at[j]], add=True)
                return ()
            lax.fori_loop(0, _C2, body, ())
            plsc.subcore_barrier()

            pltpu.sync_copy(acc_sh.at[pl.ds(base, rpt)], acc_v)
            pltpu.sync_copy(hs_hbm.at[pl.ds(base, rpt)], hs_v)
            pltpu.sync_copy(b2_hbm, b2_v)

            def _row(r, _):
                deg = jnp.maximum(_bcast0(acc_v[r, pl.ds(_N_CLS, 16)]), 1.0)
                for c in range(_N_CLS // 16):
                    sl = pl.ds(c * 16, 16)
                    out_v[r, sl] = hs_v[r, sl] + acc_v[r, sl] / deg + b2_v[sl]
                return ()
            lax.fori_loop(0, rpt, _row, ())
            pltpu.sync_copy(out_v, out_hbm.at[pl.ds(base, rpt)])

    return agg2


_agg2 = _make_agg2_final()


def _tc1_body(x4_ref, parts_ref, w1s_ref, w1n_ref, b1_ref, w2n_ref, w2s_ref,
              hwe_ref, hs_ref):
    acc = parts_ref[0] + parts_ref[1]
    deg = jnp.maximum(acc[:, _IN_F:_IN_F + 1], 1.0)
    hn = acc[:, :_IN_F] / deg
    h = x4_ref[...] @ w1s_ref[...] + hn @ w1n_ref[...] + b1_ref[...]
    h = jnp.maximum(h, 0.0)
    onehot = jnp.where(
        lax.broadcasted_iota(jnp.int32, (1, _G2), 1) == _N_CLS, 1.0, 0.0)
    hwe_ref[...] = h @ w2n_ref[...] + onehot
    hs_ref[...] = h @ w2s_ref[...]


_BLK1 = 400


def kernel(x, edge_index1, edge_index2, W1_self, W1_neigh, b1,
           W2_self, W2_neigh, b2):
    xe = jnp.concatenate(
        [x, jnp.ones((_N0, 1), jnp.float32), jnp.zeros((_N0, 15), jnp.float32)],
        axis=1)
    s1a, d1a, s1b, d1b = _split_edges(
        edge_index1[0], edge_index1[1], _C1A, _C1B, _N1, _ACC1)
    parts1 = _agg1(xe, s1a, d1a, s1b, d1b)

    w2n_pad = jnp.pad(W2_neigh, ((0, 0), (0, _G2 - _N_CLS)))
    hwe, hs = pl.pallas_call(
        _tc1_body,
        grid=(_N1 // _BLK1,),
        in_specs=[
            pl.BlockSpec((_BLK1, _IN_F), lambda i: (i, 0)),
            pl.BlockSpec((_NC, _BLK1, _G1), lambda i: (0, i, 0)),
            pl.BlockSpec((_IN_F, _H_F), lambda i: (0, 0)),
            pl.BlockSpec((_IN_F, _H_F), lambda i: (0, 0)),
            pl.BlockSpec((1, _H_F), lambda i: (0, 0)),
            pl.BlockSpec((_H_F, _G2), lambda i: (0, 0)),
            pl.BlockSpec((_H_F, _N_CLS), lambda i: (0, 0)),
        ],
        out_specs=[
            pl.BlockSpec((_BLK1, _G2), lambda i: (i, 0)),
            pl.BlockSpec((_BLK1, _N_CLS), lambda i: (i, 0)),
        ],
        out_shape=[
            jax.ShapeDtypeStruct((_N1, _G2), jnp.float32),
            jax.ShapeDtypeStruct((_N1, _N_CLS), jnp.float32),
        ],
    )(x, parts1, W1_self, W1_neigh, b1.reshape(1, _H_F), w2n_pad, W2_self)

    s2, d2 = _pad_edges_single(edge_index2[0], edge_index2[1], _C2, _N2,
                               _ACC2, _K2)
    out_full = _agg2(hwe, s2, d2, hs, b2)
    return out_full[:_N2]

# --- scband reference (transcript-rebuilt; emitter-appended) ---
"""Pipeline reference for scband-graph-sage-75350906241117 (READ-ONLY COPY).

The authoritative reference and input builder live on the scoring server;
editing this copy changes nothing except your own understanding.
"""

import jax, jax.numpy as jnp
import numpy as np

N0, N1, N2 = 10000, 4000, 1000
E1, E2 = 320000, 64000
IN_F, H_F, N_CLS = 128, 256, 64


def setup_inputs(seed: int = 0) -> dict:
    key = jax.random.key(seed)
    ks = jax.random.split(key, 12)
    x = jax.random.normal(ks[0], (N0, IN_F), dtype=jnp.float32)
    # MFG layer 1: src nodes in [0, N0), dst nodes in [0, N1) (dst are prefix of src)
    src1 = jax.random.randint(ks[1], (E1,), 0, N0, dtype=jnp.int32)
    dst1 = jax.random.randint(ks[2], (E1,), 0, N1, dtype=jnp.int32)
    edge_index1 = jnp.stack([src1, dst1], axis=0)
    # MFG layer 2: src nodes in [0, N1), dst nodes in [0, N2)
    src2 = jax.random.randint(ks[3], (E2,), 0, N1, dtype=jnp.int32)
    dst2 = jax.random.randint(ks[4], (E2,), 0, N2, dtype=jnp.int32)
    edge_index2 = jnp.stack([src2, dst2], axis=0)
    # SAGEConv params (DGL mean aggregator: fc_self + fc_neigh + bias)
    s1 = 1.0 / np.sqrt(IN_F)
    W1_self = jax.random.uniform(ks[5], (IN_F, H_F), jnp.float32, -s1, s1)
    W1_neigh = jax.random.uniform(ks[6], (IN_F, H_F), jnp.float32, -s1, s1)
    b1 = jnp.zeros((H_F,), jnp.float32)
    s2 = 1.0 / np.sqrt(H_F)
    W2_self = jax.random.uniform(ks[7], (H_F, N_CLS), jnp.float32, -s2, s2)
    W2_neigh = jax.random.uniform(ks[8], (H_F, N_CLS), jnp.float32, -s2, s2)
    b2 = jnp.zeros((N_CLS,), jnp.float32)
    return {"x": x, "edge_index1": edge_index1, "edge_index2": edge_index2,
            "W1_self": W1_self, "W1_neigh": W1_neigh, "b1": b1,
            "W2_self": W2_self, "W2_neigh": W2_neigh, "b2": b2}


def _sage_conv(h_src, h_dst, edge_index, W_self, W_neigh, b, num_dst):
    src = edge_index[0]
    dst = edge_index[1]
    msgs = jnp.take(h_src, src, axis=0)                      # gather
    summed = jax.ops.segment_sum(msgs, dst, num_segments=num_dst)  # scatter-add
    deg = jax.ops.segment_sum(jnp.ones((edge_index.shape[1],), h_src.dtype), dst,
                              num_segments=num_dst)
    h_neigh = summed / jnp.clip(deg, 1.0)[:, None]           # mean aggregator
    return h_dst @ W_self + h_neigh @ W_neigh + b


def reference(x, edge_index1, edge_index2, W1_self, W1_neigh, b1, W2_self, W2_neigh, b2):
    # layer 1: dst feats are prefix of src feats (DGL MFG convention)
    h_dst = x[:N1]
    h = _sage_conv(x, h_dst, edge_index1, W1_self, W1_neigh, b1, N1)
    h = jax.nn.relu(h)
    # layer 2
    h_dst2 = h[:N2]
    out = _sage_conv(h, h_dst2, edge_index2, W2_self, W2_neigh, b2, N2)
    return out

if __name__ == "__main__":
    import jax
    _d = setup_inputs()
    print(jax.jit(kernel)(*tuple(_d.values())))

</pallas_src>

<mosaic_0001>
#map = affine_map<(d0, d1) -> (0, 0)>
#map1 = affine_map<(d0, d1) -> (0, 0, 0)>
module attributes {stable_mosaic.version = 14 : i64} {
  func.func @agg(%arg0: i32, %arg1: i32, %arg2: memref<10000x144xf32, #tpu.memory_space<hbm>>, %arg3: memref<16x90x128xi32, #tpu.memory_space<hbm>>, %arg4: memref<16x90x128xi32, #tpu.memory_space<hbm>>, %arg5: memref<16x67x128xi32, #tpu.memory_space<hbm>>, %arg6: memref<16x67x128xi32, #tpu.memory_space<hbm>>, %arg7: memref<2x4096x144xf32, #tpu.memory_space<hbm>>, %arg8: memref<90x128xi32, #tpu.memory_space<vmem>>, %arg9: memref<90x128xi32, #tpu.memory_space<vmem>>, %arg10: memref<128x144xf32, #tpu.memory_space<vmem>>, %arg11: memref<4096x144xf32, #tpu.memory_space<vmem_shared>>, %arg12: memref<!tpu.dma_semaphore, #tpu.memory_space<semaphore_mem>>) attributes {dimension_semantics = [#tpu.dimension_semantics<core_parallel>, #tpu.dimension_semantics<subcore_parallel>], iteration_bounds = array<i64: 2, 16>, scalar_prefetch = 0 : i64, scratch_operands = 5 : i64, tpu.core_type = #tpu.core_type<sc_vector_subcore>, window_params = [{transform_indices = #map}, {transform_indices = #map1}, {transform_indices = #map1}, {transform_indices = #map1}, {transform_indices = #map1}, {transform_indices = #map1}]} {
    %scan3A = arith.constant 0 : i32
    %scan3A_0 = arith.constant 128 : i32
    %scan3A_1 = arith.addi %scan3A, %scan3A_0 : i32
    %scan3A_2 = arith.constant 1 : i32
    scf.for %scan3A_29 = %scan3A to %scan3A_1 step %scan3A_2  : i32 {
      %scan3A_30 = arith.constant 0 : i32
      %scan3A_31 = arith.constant 9 : i32
      %scan3A_32 = arith.addi %scan3A_30, %scan3A_31 : i32
      %scan3A_33 = arith.constant 1 : i32
      scf.for %scan3A_35 = %scan3A_30 to %scan3A_32 step %scan3A_33  : i32 {
        %broadcast_in_dim3A = arith.constant 0.000000e+00 : f32
        %broadcast_in_dim3A_36 = vector.broadcast %broadcast_in_dim3A : f32 to vector<16xf32>
        %mul3A_37 = arith.constant 16 : i32
        %mul3A_38 = arith.muli %scan3A_35, %mul3A_37 : i32
        %swap3A = arith.index_cast %scan3A_29 : i32 to index
        %swap3A_39 = arith.index_cast %mul3A_38 : i32 to index
        %swap3A_40 = tpu.vector_load %arg10[%swap3A, %swap3A_39] {strides = array<i32>} : memref<128x144xf32, #tpu.memory_space<vmem>>, vector<1x16xf32>,
        %swap3A_41 = vector.shape_cast %swap3A_40 : vector<1x16xf32> to vector<16xf32>
        %swap3A_42 = vector.shape_cast %broadcast_in_dim3A_36 : vector<16xf32> to vector<1x16xf32>
        tpu.vector_store %arg10[%swap3A, %swap3A_39], %swap3A_42 {strides = array<i32>} : memref<128x144xf32, #tpu.memory_space<vmem>>, vector<1x16xf32>,
      }
      %scan3A_34 = arith.constant 9 : i32
    }
    %scan3A_3 = arith.constant 128 : i32
    %mul3A = arith.constant 256 : i32
    %mul3A_4 = arith.muli %arg1, %mul3A : i32
    %scan3A_5 = arith.constant 0 : i32
    %scan3A_6 = arith.constant 2 : i32
    %scan3A_7 = arith.addi %scan3A_5, %scan3A_6 : i32
    %scan3A_8 = arith.constant 1 : i32
    scf.for %scan3A_29 = %scan3A_5 to %scan3A_7 step %scan3A_8  : i32 {
      %mul3A_30 = arith.constant 128 : i32
      %mul3A_31 = arith.muli %scan3A_29, %mul3A_30 : i32
      %add3A = arith.addi %mul3A_4, %mul3A_31 : i32
      "tpu.region"() ({
        %run_scoped3A = tpu.sem_alloc : memref<!tpu.dma_semaphore, #tpu.memory_space<semaphore_mem>>
        %dma_start3A = arith.constant 0 : i32
        %dma_start3A_32 = tpu.memref_slice %arg11[%add3A, %dma_start3A] : memref<4096x144xf32, #tpu.memory_space<vmem_shared>> -> memref<128x144xf32, #tpu.memory_space<vmem_shared>>
        %dma_start3A_33 = arith.constant 0 : i32
        %dma_start3A_34 = tpu.memref_slice %arg11[%add3A, %dma_start3A_33] : memref<4096x144xf32, #tpu.memory_space<vmem_shared>> -> memref<128x144xf32, #tpu.memory_space<vmem_shared>>
        tpu.enqueue_dma source(%arg10 : memref<128x144xf32, #tpu.memory_space<vmem>>) target(%dma_start3A_34 : memref<128x144xf32, #tpu.memory_space<vmem_shared>>) target_semaphore(%run_scoped3A : memref<!tpu.dma_semaphore, #tpu.memory_space<semaphore_mem>>)
        %dma_wait3A = arith.constant 0 : i32
        %dma_wait3A_35 = tpu.memref_slice %arg11[%add3A, %dma_wait3A] : memref<4096x144xf32, #tpu.memory_space<vmem_shared>> -> memref<128x144xf32, #tpu.memory_space<vmem_shared>>
        %dma_wait3A_36 = arith.constant 0 : i32
        %dma_wait3A_37 = tpu.memref_slice %arg11[%add3A, %dma_wait3A_36] : memref<4096x144xf32, #tpu.memory_space<vmem_shared>> -> memref<128x144xf32, #tpu.memory_space<vmem_shared>>
        tpu.wait_dma2 semaphore(%run_scoped3A : memref<!tpu.dma_semaphore, #tpu.memory_space<semaphore_mem>>) src(%arg10 : memref<128x144xf32, #tpu.memory_space<vmem>>) dst(%dma_wait3A_37 : memref<128x144xf32, #tpu.memory_space<vmem_shared>>)
        tpu.yield
      }) : () -> ()
    }
    %scan3A_9 = arith.constant 2 : i32
    %barrier3A = arith.constant 0 : index
    tpu.barrier barrier_id(%barrier3A)
    %eq3A = arith.constant 0 : i32
    %eq3A_10 = arith.cmpi eq, %arg0, %eq3A : i32
    %convert_element_type3A = arith.extui %eq3A_10 : i1 to i32
    %cond3A = arith.constant 0 : i32
    %cond3A_11 = arith.cmpi ne, %convert_element_type3A, %cond3A : i32
    scf.if %cond3A_11 {
      "tpu.region"() ({
        %run_scoped3A = tpu.sem_alloc : memref<!tpu.dma_semaphore, #tpu.memory_space<semaphore_mem>>
        %dma_start3A = arith.constant 0 : i32
        %dma_start3A_29 = arith.constant 0 : i32
        %dma_start3A_30 = tpu.memref_slice %arg8[%dma_start3A, %dma_start3A_29] : memref<90x128xi32, #tpu.memory_space<vmem>> -> memref<90x128xi32, #tpu.memory_space<vmem>>
        %dma_start3A_31 = arith.constant 0 : i32
        %dma_start3A_32 = arith.constant 0 : i32
        %dma_start3A_33 = tpu.memref_slice %arg3[%arg1, %dma_start3A_31, %dma_start3A_32] : memref<16x90x128xi32, #tpu.memory_space<hbm>> -> memref<1x90x128xi32, #tpu.memory_space<hbm>>
        %dma_start3A_34 = tpu.memref_squeeze %dma_start3A_33 : memref<1x90x128xi32, #tpu.memory_space<hbm>> -> memref<90x128xi32, #tpu.memory_space<hbm>>
        %dma_start3A_35 = arith.constant 0 : i32
        %dma_start3A_36 = arith.constant 0 : i32
        %dma_start3A_37 = tpu.memref_slice %arg8[%dma_start3A_35, %dma_start3A_36] : memref<90x128xi32, #tpu.memory_space<vmem>> -> memref<90x128xi32, #tpu.memory_space<vmem>>
        %dma_start3A_38 = arith.constant 0 : i32
        %dma_start3A_39 = arith.constant 0 : i32
        %dma_start3A_40 = tpu.memref_slice %arg3[%arg1, %dma_start3A_38, %dma_start3A_39] : memref<16x90x128xi32, #tpu.memory_space<hbm>> -> memref<1x90x128xi32, #tpu.memory_space<hbm>>
        %dma_start3A_41 = tpu.memref_squeeze %dma_start3A_40 : memref<1x90x128xi32, #tpu.memory_space<hbm>> -> memref<90x128xi32, #tpu.memory_space<hbm>>
        tpu.enqueue_dma source(%dma_start3A_41 : memref<90x128xi32, #tpu.memory_space<hbm>>) target(%dma_start3A_37 : memref<90x128xi32, #tpu.memory_space<vmem>>) target_semaphore(%run_scoped3A : memref<!tpu.dma_semaphore, #tpu.memory_space<semaphore_mem>>)
        %dma_wait3A = arith.constant 0 : i32
        %dma_wait3A_42 = arith.constant 0 : i32
        %dma_wait3A_43 = tpu.memref_slice %arg8[%dma_wait3A, %dma_wait3A_42] : memref<90x128xi32, #tpu.memory_space<vmem>> -> memref<90x128xi32, #tpu.memory_space<vmem>>
        %dma_wait3A_44 = arith.constant 0 : i32
        %dma_wait3A_45 = arith.constant 0 : i32
        %dma_wait3A_46 = tpu.memref_slice %arg3[%arg1, %dma_wait3A_44, %dma_wait3A_45] : memref<16x90x128xi32, #tpu.memory_space<hbm>> -> memref<1x90x128xi32, #tpu.memory_space<hbm>>
        %dma_wait3A_47 = tpu.memref_squeeze %dma_wait3A_46 : memref<1x90x128xi32, #tpu.memory_space<hbm>> -> memref<90x128xi32, #tpu.memory_space<hbm>>
        %dma_wait3A_48 = arith.constant 0 : i32
        %dma_wait3A_49 = arith.constant 0 : i32
        %dma_wait3A_50 = tpu.memref_slice %arg8[%dma_wait3A_48, %dma_wait3A_49] : memref<90x128xi32, #tpu.memory_space<vmem>> -> memref<90x128xi32, #tpu.memory_space<vmem>>
        %dma_wait3A_51 = arith.constant 0 : i32
        %dma_wait3A_52 = arith.constant 0 : i32
        %dma_wait3A_53 = tpu.memref_slice %arg3[%arg1, %dma_wait3A_51, %dma_wait3A_52] : memref<16x90x128xi32, #tpu.memory_space<hbm>> -> memref<1x90x128xi32, #tpu.memory_space<hbm>>
        %dma_wait3A_54 = tpu.memref_squeeze %dma_wait3A_53 : memref<1x90x128xi32, #tpu.memory_space<hbm>> -> memref<90x128xi32, #tpu.memory_space<hbm>>
        tpu.wait_dma2 semaphore(%run_scoped3A : memref<!tpu.dma_semaphore, #tpu.memory_space<semaphore_mem>>) src(%dma_wait3A_54 : memref<90x128xi32, #tpu.memory_space<hbm>>) dst(%dma_wait3A_50 : memref<90x128xi32, #tpu.memory_space<vmem>>)
        tpu.yield
      }) : () -> ()
      "tpu.region"() ({
        %run_scoped3A = tpu.sem_alloc : memref<!tpu.dma_semaphore, #tpu.memory_space<semaphore_mem>>
        %dma_start3A = arith.constant 0 : i32
        %dma_start3A_29 = arith.constant 0 : i32
        %dma_start3A_30 = tpu.memref_slice %arg9[%dma_start3A, %dma_start3A_29] : memref<90x128xi32, #tpu.memory_space<vmem>> -> memref<90x128xi32, #tpu.memory_space<vmem>>
        %dma_start3A_31 = arith.constant 0 : i32
        %dma_start3A_32 = arith.constant 0 : i32
        %dma_start3A_33 = tpu.memref_slice %arg4[%arg1, %dma_start3A_31, %dma_start3A_32] : memref<16x90x128xi32, #tpu.memory_space<hbm>> -> memref<1x90x128xi32, #tpu.memory_space<hbm>>
        %dma_start3A_34 = tpu.memref_squeeze %dma_start3A_33 : memref<1x90x128xi32, #tpu.memory_space<hbm>> -> memref<90x128xi32, #tpu.memory_space<hbm>>
        %dma_start3A_35 = arith.constant 0 : i32
        %dma_start3A_36 = arith.constant 0 : i32
        %dma_start3A_37 = tpu.memref_slice %arg9[%dma_start3A_35, %dma_start3A_36] : memref<90x128xi32, #tpu.memory_space<vmem>> -> memref<90x128xi32, #tpu.memory_space<vmem>>
        %dma_start3A_38 = arith.constant 0 : i32
        %dma_start3A_39 = arith.constant 0 : i32
        %dma_start3A_40 = tpu.memref_slice %arg4[%arg1, %dma_start3A_38, %dma_start3A_39] : memref<16x90x128xi32, #tpu.memory_space<hbm>> -> memref<1x90x128xi32, #tpu.memory_space<hbm>>
        %dma_start3A_41 = tpu.memref_squeeze %dma_start3A_40 : memref<1x90x128xi32, #tpu.memory_space<hbm>> -> memref<90x128xi32, #tpu.memory_space<hbm>>
        tpu.enqueue_dma source(%dma_start3A_41 : memref<90x128xi32, #tpu.memory_space<hbm>>) target(%dma_start3A_37 : memref<90x128xi32, #tpu.memory_space<vmem>>) target_semaphore(%run_scoped3A : memref<!tpu.dma_semaphore, #tpu.memory_space<semaphore_mem>>)
        %dma_wait3A = arith.constant 0 : i32
        %dma_wait3A_42 = arith.constant 0 : i32
        %dma_wait3A_43 = tpu.memref_slice %arg9[%dma_wait3A, %dma_wait3A_42] : memref<90x128xi32, #tpu.memory_space<vmem>> -> memref<90x128xi32, #tpu.memory_space<vmem>>
        %dma_wait3A_44 = arith.constant 0 : i32
        %dma_wait3A_45 = arith.constant 0 : i32
        %dma_wait3A_46 = tpu.memref_slice %arg4[%arg1, %dma_wait3A_44, %dma_wait3A_45] : memref<16x90x128xi32, #tpu.memory_space<hbm>> -> memref<1x90x128xi32, #tpu.memory_space<hbm>>
        %dma_wait3A_47 = tpu.memref_squeeze %dma_wait3A_46 : memref<1x90x128xi32, #tpu.memory_space<hbm>> -> memref<90x128xi32, #tpu.memory_space<hbm>>
        %dma_wait3A_48 = arith.constant 0 : i32
        %dma_wait3A_49 = arith.constant 0 : i32
        %dma_wait3A_50 = tpu.memref_slice %arg9[%dma_wait3A_48, %dma_wait3A_49] : memref<90x128xi32, #tpu.memory_space<vmem>> -> memref<90x128xi32, #tpu.memory_space<vmem>>
        %dma_wait3A_51 = arith.constant 0 : i32
        %dma_wait3A_52 = arith.constant 0 : i32
        %dma_wait3A_53 = tpu.memref_slice %arg4[%arg1, %dma_wait3A_51, %dma_wait3A_52] : memref<16x90x128xi32, #tpu.memory_space<hbm>> -> memref<1x90x128xi32, #tpu.memory_space<hbm>>
        %dma_wait3A_54 = tpu.memref_squeeze %dma_wait3A_53 : memref<1x90x128xi32, #tpu.memory_space<hbm>> -> memref<90x128xi32, #tpu.memory_space<hbm>>
        tpu.wait_dma2 semaphore(%run_scoped3A : memref<!tpu.dma_semaphore, #tpu.memory_space<semaphore_mem>>) src(%dma_wait3A_54 : memref<90x128xi32, #tpu.memory_space<hbm>>) dst(%dma_wait3A_50 : memref<90x128xi32, #tpu.memory_space<vmem>>)
        tpu.yield
      }) : () -> ()
    } else {
    }
    %eq3A_12 = arith.constant 1 : i32
    %eq3A_13 = arith.cmpi eq, %arg0, %eq3A_12 : i32
    %convert_element_type3A_14 = arith.extui %eq3A_13 : i1 to i32
    %cond3A_15 = arith.constant 0 : i32
    %cond3A_16 = arith.cmpi ne, %convert_element_type3A_14, %cond3A_15 : i32
    scf.if %cond3A_16 {
      "tpu.region"() ({
        %run_scoped3A = tpu.sem_alloc : memref<!tpu.dma_semaphore, #tpu.memory_space<semaphore_mem>>
        %dma_start3A = arith.constant 0 : i32
        %dma_start3A_29 = arith.constant 0 : i32
        %dma_start3A_30 = tpu.memref_slice %arg8[%dma_start3A, %dma_start3A_29] : memref<90x128xi32, #tpu.memory_space<vmem>> -> memref<67x128xi32, #tpu.memory_space<vmem>>
        %dma_start3A_31 = arith.constant 0 : i32
        %dma_start3A_32 = arith.constant 0 : i32
        %dma_start3A_33 = tpu.memref_slice %arg5[%arg1, %dma_start3A_31, %dma_start3A_32] : memref<16x67x128xi32, #tpu.memory_space<hbm>> -> memref<1x67x128xi32, #tpu.memory_space<hbm>>
        %dma_start3A_34 = tpu.memref_squeeze %dma_start3A_33 : memref<1x67x128xi32, #tpu.memory_space<hbm>> -> memref<67x128xi32, #tpu.memory_space<hbm>>
        %dma_start3A_35 = arith.constant 0 : i32
        %dma_start3A_36 = arith.constant 0 : i32
        %dma_start3A_37 = tpu.memref_slice %arg8[%dma_start3A_35, %dma_start3A_36] : memref<90x128xi32, #tpu.memory_space<vmem>> -> memref<67x128xi32, #tpu.memory_space<vmem>>
        %dma_start3A_38 = arith.constant 0 : i32
        %dma_start3A_39 = arith.constant 0 : i32
        %dma_start3A_40 = tpu.memref_slice %arg5[%arg1, %dma_start3A_38, %dma_start3A_39] : memref<16x67x128xi32, #tpu.memory_space<hbm>> -> memref<1x67x128xi32, #tpu.memory_space<hbm>>
        %dma_start3A_41 = tpu.memref_squeeze %dma_start3A_40 : memref<1x67x128xi32, #tpu.memory_space<hbm>> -> memref<67x128xi32, #tpu.memory_space<hbm>>
        tpu.enqueue_dma source(%dma_start3A_41 : memref<67x128xi32, #tpu.memory_space<hbm>>) target(%dma_start3A_37 : memref<67x128xi32, #tpu.memory_space<vmem>>) target_semaphore(%run_scoped3A : memref<!tpu.dma_semaphore, #tpu.memory_space<semaphore_mem>>)
        %dma_wait3A = arith.constant 0 : i32
        %dma_wait3A_42 = arith.constant 0 : i32
        %dma_wait3A_43 = tpu.memref_slice %arg8[%dma_wait3A, %dma_wait3A_42] : memref<90x128xi32, #tpu.memory_space<vmem>> -> memref<67x128xi32, #tpu.memory_space<vmem>>
        %dma_wait3A_44 = arith.constant 0 : i32
        %dma_wait3A_45 = arith.constant 0 : i32
        %dma_wait3A_46 = tpu.memref_slice %arg5[%arg1, %dma_wait3A_44, %dma_wait3A_45] : memref<16x67x128xi32, #tpu.memory_space<hbm>> -> memref<1x67x128xi32, #tpu.memory_space<hbm>>
        %dma_wait3A_47 = tpu.memref_squeeze %dma_wait3A_46 : memref<1x67x128xi32, #tpu.memory_space<hbm>> -> memref<67x128xi32, #tpu.memory_space<hbm>>
        %dma_wait3A_48 = arith.constant 0 : i32
        %dma_wait3A_49 = arith.constant 0 : i32
        %dma_wait3A_50 = tpu.memref_slice %arg8[%dma_wait3A_48, %dma_wait3A_49] : memref<90x128xi32, #tpu.memory_space<vmem>> -> memref<67x128xi32, #tpu.memory_space<vmem>>
        %dma_wait3A_51 = arith.constant 0 : i32
        %dma_wait3A_52 = arith.constant 0 : i32
        %dma_wait3A_53 = tpu.memref_slice %arg5[%arg1, %dma_wait3A_51, %dma_wait3A_52] : memref<16x67x128xi32, #tpu.memory_space<hbm>> -> memref<1x67x128xi32, #tpu.memory_space<hbm>>
        %dma_wait3A_54 = tpu.memref_squeeze %dma_wait3A_53 : memref<1x67x128xi32, #tpu.memory_space<hbm>> -> memref<67x128xi32, #tpu.memory_space<hbm>>
        tpu.wait_dma2 semaphore(%run_scoped3A : memref<!tpu.dma_semaphore, #tpu.memory_space<semaphore_mem>>) src(%dma_wait3A_54 : memref<67x128xi32, #tpu.memory_space<hbm>>) dst(%dma_wait3A_50 : memref<67x128xi32, #tpu.memory_space<vmem>>)
        tpu.yield
      }) : () -> ()
      "tpu.region"() ({
        %run_scoped3A = tpu.sem_alloc : memref<!tpu.dma_semaphore, #tpu.memory_space<semaphore_mem>>
        %dma_start3A = arith.constant 0 : i32
        %dma_start3A_29 = arith.constant 0 : i32
        %dma_start3A_30 = tpu.memref_slice %arg9[%dma_start3A, %dma_start3A_29] : memref<90x128xi32, #tpu.memory_space<vmem>> -> memref<67x128xi32, #tpu.memory_space<vmem>>
        %dma_start3A_31 = arith.constant 0 : i32
        %dma_start3A_32 = arith.constant 0 : i32
        %dma_start3A_33 = tpu.memref_slice %arg6[%arg1, %dma_start3A_31, %dma_start3A_32] : memref<16x67x128xi32, #tpu.memory_space<hbm>> -> memref<1x67x128xi32, #tpu.memory_space<hbm>>
        %dma_start3A_34 = tpu.memref_squeeze %dma_start3A_33 : memref<1x67x128xi32, #tpu.memory_space<hbm>> -> memref<67x128xi32, #tpu.memory_space<hbm>>
        %dma_start3A_35 = arith.constant 0 : i32
        %dma_start3A_36 = arith.constant 0 : i32
        %dma_start3A_37 = tpu.memref_slice %arg9[%dma_start3A_35, %dma_start3A_36] : memref<90x128xi32, #tpu.memory_space<vmem>> -> memref<67x128xi32, #tpu.memory_space<vmem>>
        %dma_start3A_38 = arith.constant 0 : i32
        %dma_start3A_39 = arith.constant 0 : i32
        %dma_start3A_40 = tpu.memref_slice %arg6[%arg1, %dma_start3A_38, %dma_start3A_39] : memref<16x67x128xi32, #tpu.memory_space<hbm>> -> memref<1x67x128xi32, #tpu.memory_space<hbm>>
        %dma_start3A_41 = tpu.memref_squeeze %dma_start3A_40 : memref<1x67x128xi32, #tpu.memory_space<hbm>> -> memref<67x128xi32, #tpu.memory_space<hbm>>
        tpu.enqueue_dma source(%dma_start3A_41 : memref<67x128xi32, #tpu.memory_space<hbm>>) target(%dma_start3A_37 : memref<67x128xi32, #tpu.memory_space<vmem>>) target_semaphore(%run_scoped3A : memref<!tpu.dma_semaphore, #tpu.memory_space<semaphore_mem>>)
        %dma_wait3A = arith.constant 0 : i32
        %dma_wait3A_42 = arith.constant 0 : i32
        %dma_wait3A_43 = tpu.memref_slice %arg9[%dma_wait3A, %dma_wait3A_42] : memref<90x128xi32, #tpu.memory_space<vmem>> -> memref<67x128xi32, #tpu.memory_space<vmem>>
        %dma_wait3A_44 = arith.constant 0 : i32
        %dma_wait3A_45 = arith.constant 0 : i32
        %dma_wait3A_46 = tpu.memref_slice %arg6[%arg1, %dma_wait3A_44, %dma_wait3A_45] : memref<16x67x128xi32, #tpu.memory_space<hbm>> -> memref<1x67x128xi32, #tpu.memory_space<hbm>>
        %dma_wait3A_47 = tpu.memref_squeeze %dma_wait3A_46 : memref<1x67x128xi32, #tpu.memory_space<hbm>> -> memref<67x128xi32, #tpu.memory_space<hbm>>
        %dma_wait3A_48 = arith.constant 0 : i32
        %dma_wait3A_49 = arith.constant 0 : i32
        %dma_wait3A_50 = tpu.memref_slice %arg9[%dma_wait3A_48, %dma_wait3A_49] : memref<90x128xi32, #tpu.memory_space<vmem>> -> memref<67x128xi32, #tpu.memory_space<vmem>>
        %dma_wait3A_51 = arith.constant 0 : i32
        %dma_wait3A_52 = arith.constant 0 : i32
        %dma_wait3A_53 = tpu.memref_slice %arg6[%arg1, %dma_wait3A_51, %dma_wait3A_52] : memref<16x67x128xi32, #tpu.memory_space<hbm>> -> memref<1x67x128xi32, #tpu.memory_space<hbm>>
        %dma_wait3A_54 = tpu.memref_squeeze %dma_wait3A_53 : memref<1x67x128xi32, #tpu.memory_space<hbm>> -> memref<67x128xi32, #tpu.memory_space<hbm>>
        tpu.wait_dma2 semaphore(%run_scoped3A : memref<!tpu.dma_semaphore, #tpu.memory_space<semaphore_mem>>) src(%dma_wait3A_54 : memref<67x128xi32, #tpu.memory_space<hbm>>) dst(%dma_wait3A_50 : memref<67x128xi32, #tpu.memory_space<vmem>>)
        tpu.yield
      }) : () -> ()
    } else {
    }
    %eq3A_17 = arith.constant 0 : i32
    %eq3A_18 = arith.cmpi eq, %arg0, %eq3A_17 : i32
    %jit3A = arith.constant 90 : i32
    %jit3A_19 = arith.constant 67 : i32
    %select_n3A = arith.select %eq3A_18, %jit3A, %jit3A_19 : i32
    %while3A = arith.constant 0 : i32
    %while3A_20 = arith.subi %select_n3A, %while3A : i32
    %while3A_21 = arith.addi %while3A, %while3A_20 : i32
    %while3A_22 = arith.constant 1 : i32
    %while3A_23 = arith.divsi %while3A_20, %while3A_22 : i32
    %while3A_24 = arith.muli %while3A_23, %while3A_22 : i32
    %while3A_25 = arith.addi %while3A, %while3A_24 : i32
    %while3A_26 = arith.constant 1 : i32
    scf.for %while3A_29 = %while3A to %while3A_25 step %while3A_26  : i32 {
      %dma_start3A = arith.constant 0 : i32
      %dma_start3A_30 = tpu.memref_slice %arg8[%while3A_29, %dma_start3A] : memref<90x128xi32, #tpu.memory_space<vmem>> -> memref<1x128xi32, #tpu.memory_space<vmem>>
      %dma_start3A_31 = tpu.memref_squeeze %dma_start3A_30 : memref<1x128xi32, #tpu.memory_space<vmem>> -> memref<128xi32, #tpu.memory_space<vmem>>
      %dma_start3A_32 = arith.constant 0 : i32
      %dma_start3A_33 = arith.constant 0 : i32
      %dma_start3A_34 = tpu.memref_slice %arg2[%dma_start3A_32, %dma_start3A_33] : memref<10000x144xf32, #tpu.memory_space<hbm>> -> memref<10000x144xf32, #tpu.memory_space<hbm>>
      tpu.enqueue_indirect_dma source(%dma_start3A_34 : memref<10000x144xf32, #tpu.memory_space<hbm>>) target(%arg10 : memref<128x144xf32, #tpu.memory_space<vmem>>) offsets(%dma_start3A_31 : memref<128xi32, #tpu.memory_space<vmem>>) semaphore(%arg12 : memref<!tpu.dma_semaphore, #tpu.memory_space<semaphore_mem>>)
      %dma_wait3A = arith.constant 0 : i32
      %dma_wait3A_35 = tpu.memref_slice %arg8[%while3A_29, %dma_wait3A] : memref<90x128xi32, #tpu.memory_space<vmem>> -> memref<1x128xi32, #tpu.memory_space<vmem>>
      %dma_wait3A_36 = tpu.memref_squeeze %dma_wait3A_35 : memref<1x128xi32, #tpu.memory_space<vmem>> -> memref<128xi32, #tpu.memory_space<vmem>>
      %dma_wait3A_37 = arith.constant 0 : i32
      %dma_wait3A_38 = arith.constant 0 : i32
      %dma_wait3A_39 = tpu.memref_slice %arg2[%dma_wait3A_37, %dma_wait3A_38] : memref<10000x144xf32, #tpu.memory_space<hbm>> -> memref<10000x144xf32, #tpu.memory_space<hbm>>
      tpu.wait_indirect_dma semaphore(%arg12 : memref<!tpu.dma_semaphore, #tpu.memory_space<semaphore_mem>>) src(%dma_wait3A_39 : memref<10000x144xf32, #tpu.memory_space<hbm>>) dst(%arg10 : memref<128x144xf32, #tpu.memory_space<vmem>>)
      "tpu.region"() ({
        %run_scoped3A = tpu.sem_alloc : memref<!tpu.dma_semaphore, #tpu.memory_space<semaphore_mem>>
        %dma_start3A_40 = arith.constant 0 : i32
        %dma_start3A_41 = tpu.memref_slice %arg9[%while3A_29, %dma_start3A_40] : memref<90x128xi32, #tpu.memory_space<vmem>> -> memref<1x128xi32, #tpu.memory_space<vmem>>
        %dma_start3A_42 = tpu.memref_squeeze %dma_start3A_41 : memref<1x128xi32, #tpu.memory_space<vmem>> -> memref<128xi32, #tpu.memory_space<vmem>>
        %dma_start3A_43 = arith.constant 0 : i32
        %dma_start3A_44 = arith.constant 0 : i32
        %dma_start3A_45 = tpu.memref_slice %arg11[%dma_start3A_43, %dma_start3A_44] : memref<4096x144xf32, #tpu.memory_space<vmem_shared>> -> memref<4096x144xf32, #tpu.memory_space<vmem_shared>>
        tpu.enqueue_indirect_dma source(%arg10 : memref<128x144xf32, #tpu.memory_space<vmem>>) target(%dma_start3A_45 : memref<4096x144xf32, #tpu.memory_space<vmem_shared>>) offsets(%dma_start3A_42 : memref<128xi32, #tpu.memory_space<vmem>>) semaphore(%run_scoped3A : memref<!tpu.dma_semaphore, #tpu.memory_space<semaphore_mem>>) {add = true}
        %dma_wait3A_46 = arith.constant 0 : i32
        %dma_wait3A_47 = tpu.memref_slice %arg9[%while3A_29, %dma_wait3A_46] : memref<90x128xi32, #tpu.memory_space<vmem>> -> memref<1x128xi32, #tpu.memory_space<vmem>>
        %dma_wait3A_48 = tpu.memref_squeeze %dma_wait3A_47 : memref<1x128xi32, #tpu.memory_space<vmem>> -> memref<128xi32, #tpu.memory_space<vmem>>
        %dma_wait3A_49 = arith.constant 0 : i32
        %dma_wait3A_50 = arith.constant 0 : i32
        %dma_wait3A_51 = tpu.memref_slice %arg11[%dma_wait3A_49, %dma_wait3A_50] : memref<4096x144xf32, #tpu.memory_space<vmem_shared>> -> memref<4096x144xf32, #tpu.memory_space<vmem_shared>>
        tpu.wait_indirect_dma semaphore(%run_scoped3A : memref<!tpu.dma_semaphore, #tpu.memory_space<semaphore_mem>>) src(%arg10 : memref<128x144xf32, #tpu.memory_space<vmem>>) dst(%dma_wait3A_51 : memref<4096x144xf32, #tpu.memory_space<vmem_shared>>)
        tpu.yield
      }) : () -> ()
    }
    %while3A_27 = arith.constant 1 : i32
    scf.for %while3A_29 = %while3A_25 to %while3A_21 step %while3A_27  : i32 {
      %dma_start3A = arith.constant 0 : i32
      %dma_start3A_30 = tpu.memref_slice %arg8[%while3A_29, %dma_start3A] : memref<90x128xi32, #tpu.memory_space<vmem>> -> memref<1x128xi32, #tpu.memory_space<vmem>>
      %dma_start3A_31 = tpu.memref_squeeze %dma_start3A_30 : memref<1x128xi32, #tpu.memory_space<vmem>> -> memref<128xi32, #tpu.memory_space<vmem>>
      %dma_start3A_32 = arith.constant 0 : i32
      %dma_start3A_33 = arith.constant 0 : i32
      %dma_start3A_34 = tpu.memref_slice %arg2[%dma_start3A_32, %dma_start3A_33] : memref<10000x144xf32, #tpu.memory_space<hbm>> -> memref<10000x144xf32, #tpu.memory_space<hbm>>
      tpu.enqueue_indirect_dma source(%dma_start3A_34 : memref<10000x144xf32, #tpu.memory_space<hbm>>) target(%arg10 : memref<128x144xf32, #tpu.memory_space<vmem>>) offsets(%dma_start3A_31 : memref<128xi32, #tpu.memory_space<vmem>>) semaphore(%arg12 : memref<!tpu.dma_semaphore, #tpu.memory_space<semaphore_mem>>)
      %dma_wait3A = arith.constant 0 : i32
      %dma_wait3A_35 = tpu.memref_slice %arg8[%while3A_29, %dma_wait3A] : memref<90x128xi32, #tpu.memory_space<vmem>> -> memref<1x128xi32, #tpu.memory_space<vmem>>
      %dma_wait3A_36 = tpu.memref_squeeze %dma_wait3A_35 : memref<1x128xi32, #tpu.memory_space<vmem>> -> memref<128xi32, #tpu.memory_space<vmem>>
      %dma_wait3A_37 = arith.constant 0 : i32
      %dma_wait3A_38 = arith.constant 0 : i32
      %dma_wait3A_39 = tpu.memref_slice %arg2[%dma_wait3A_37, %dma_wait3A_38] : memref<10000x144xf32, #tpu.memory_space<hbm>> -> memref<10000x144xf32, #tpu.memory_space<hbm>>
      tpu.wait_indirect_dma semaphore(%arg12 : memref<!tpu.dma_semaphore, #tpu.memory_space<semaphore_mem>>) src(%dma_wait3A_39 : memref<10000x144xf32, #tpu.memory_space<hbm>>) dst(%arg10 : memref<128x144xf32, #tpu.memory_space<vmem>>)
      "tpu.region"() ({
        %run_scoped3A = tpu.sem_alloc : memref<!tpu.dma_semaphore, #tpu.memory_space<semaphore_mem>>
        %dma_start3A_40 = arith.constant 0 : i32
        %dma_start3A_41 = tpu.memref_slice %arg9[%while3A_29, %dma_start3A_40] : memref<90x128xi32, #tpu.memory_space<vmem>> -> memref<1x128xi32, #tpu.memory_space<vmem>>
        %dma_start3A_42 = tpu.memref_squeeze %dma_start3A_41 : memref<1x128xi32, #tpu.memory_space<vmem>> -> memref<128xi32, #tpu.memory_space<vmem>>
        %dma_start3A_43 = arith.constant 0 : i32
        %dma_start3A_44 = arith.constant 0 : i32
        %dma_start3A_45 = tpu.memref_slice %arg11[%dma_start3A_43, %dma_start3A_44] : memref<4096x144xf32, #tpu.memory_space<vmem_shared>> -> memref<4096x144xf32, #tpu.memory_space<vmem_shared>>
        tpu.enqueue_indirect_dma source(%arg10 : memref<128x144xf32, #tpu.memory_space<vmem>>) target(%dma_start3A_45 : memref<4096x144xf32, #tpu.memory_space<vmem_shared>>) offsets(%dma_start3A_42 : memref<128xi32, #tpu.memory_space<vmem>>) semaphore(%run_scoped3A : memref<!tpu.dma_semaphore, #tpu.memory_space<semaphore_mem>>) {add = true}
        %dma_wait3A_46 = arith.constant 0 : i32
        %dma_wait3A_47 = tpu.memref_slice %arg9[%while3A_29, %dma_wait3A_46] : memref<90x128xi32, #tpu.memory_space<vmem>> -> memref<1x128xi32, #tpu.memory_space<vmem>>
        %dma_wait3A_48 = tpu.memref_squeeze %dma_wait3A_47 : memref<1x128xi32, #tpu.memory_space<vmem>> -> memref<128xi32, #tpu.memory_space<vmem>>
        %dma_wait3A_49 = arith.constant 0 : i32
        %dma_wait3A_50 = arith.constant 0 : i32
        %dma_wait3A_51 = tpu.memref_slice %arg11[%dma_wait3A_49, %dma_wait3A_50] : memref<4096x144xf32, #tpu.memory_space<vmem_shared>> -> memref<4096x144xf32, #tpu.memory_space<vmem_shared>>
        tpu.wait_indirect_dma semaphore(%run_scoped3A : memref<!tpu.dma_semaphore, #tpu.memory_space<semaphore_mem>>) src(%arg10 : memref<128x144xf32, #tpu.memory_space<vmem>>) dst(%dma_wait3A_51 : memref<4096x144xf32, #tpu.memory_space<vmem_shared>>)
        tpu.yield
      }) : () -> ()
    }
    %barrier3A_28 = arith.constant 0 : index
    tpu.barrier barrier_id(%barrier3A_28)
    "tpu.region"() ({
      %run_scoped3A = tpu.sem_alloc : memref<!tpu.dma_semaphore, #tpu.memory_space<semaphore_mem>>
      %dma_start3A = arith.constant 0 : i32
      %dma_start3A_29 = tpu.memref_slice %arg7[%arg0, %mul3A_4, %dma_start3A] : memref<2x4096x144xf32, #tpu.memory_space<hbm>> -> memref<1x256x144xf32, #tpu.memory_space<hbm>>
      %dma_start3A_30 = tpu.memref_squeeze %dma_start3A_29 : memref<1x256x144xf32, #tpu.memory_space<hbm>> -> memref<256x144xf32, #tpu.memory_space<hbm>>
      %dma_start3A_31 = arith.constant 0 : i32
      %dma_start3A_32 = tpu.memref_slice %arg11[%mul3A_4, %dma_start3A_31] : memref<4096x144xf32, #tpu.memory_space<vmem_shared>> -> memref<256x144xf32, #tpu.memory_space<vmem_shared>>
      tpu.enqueue_dma source(%dma_start3A_32 : memref<256x144xf32, #tpu.memory_space<vmem_shared>>) target(%dma_start3A_30 : memref<256x144xf32, #tpu.memory_space<hbm>>) target_semaphore(%run_scoped3A : memref<!tpu.dma_semaphore, #tpu.memory_space<semaphore_mem>>)
      %dma_wait3A = arith.constant 0 : i32
      %dma_wait3A_33 = tpu.memref_slice %arg7[%arg0, %mul3A_4, %dma_wait3A] : memref<2x4096x144xf32, #tpu.memory_space<hbm>> -> memref<1x256x144xf32, #tpu.memory_space<hbm>>
      %dma_wait3A_34 = tpu.memref_squeeze %dma_wait3A_33 : memref<1x256x144xf32, #tpu.memory_space<hbm>> -> memref<256x144xf32, #tpu.memory_space<hbm>>
      %dma_wait3A_35 = arith.constant 0 : i32
      %dma_wait3A_36 = tpu.memref_slice %arg11[%mul3A_4, %dma_wait3A_35] : memref<4096x144xf32, #tpu.memory_space<vmem_shared>> -> memref<256x144xf32, #tpu.memory_space<vmem_shared>>
      tpu.wait_dma2 semaphore(%run_scoped3A : memref<!tpu.dma_semaphore, #tpu.memory_space<semaphore_mem>>) src(%dma_wait3A_36 : memref<256x144xf32, #tpu.memory_space<vmem_shared>>) dst(%dma_wait3A_34 : memref<256x144xf32, #tpu.memory_space<hbm>>)
      tpu.yield
    }) : () -> ()
    return
  }
}

#map = affine_map<(d0, d1) -> (0, 0)>
#map1 = affine_map<(d0, d1) -> (0, 0, 0)>
#map2 = affine_map<(d0, d1) -> (0)>
module attributes {stable_mosaic.version = 14 : i64} {
  func.func @agg2(%arg0: i32, %arg1: i32, %arg2: memref<4000x80xf32, #tpu.memory_space<hbm>>, %arg3: memref<16x8x512xi32, #tpu.memory_space<hbm>>, %arg4: memref<16x8x512xi32, #tpu.memory_space<hbm>>, %arg5: memref<4000x64xf32, #tpu.memory_space<hbm>>, %arg6: memref<64xf32, #tpu.memory_space<hbm>>, %arg7: memref<1024x64xf32, #tpu.memory_space<hbm>>, %arg8: memref<8x512xi32, #tpu.memory_space<vmem>>, %arg9: memref<8x512xi32, #tpu.memory_space<vmem>>, %arg10: memref<512x80xf32, #tpu.memory_space<vmem>>, %arg11: memref<64x64xf32, #tpu.memory_space<vmem>>, %arg12: memref<64x80xf32, #tpu.memory_space<vmem>>, %arg13: memref<64x64xf32, #tpu.memory_space<vmem>>, %arg14: memref<64xf32, #tpu.memory_space<vmem>>, %arg15: memref<1024x80xf32, #tpu.memory_space<vmem_shared>>, %arg16: memref<!tpu.dma_semaphore, #tpu.memory_space<semaphore_mem>>) attributes {dimension_semantics = [#tpu.dimension_semantics<core_parallel>, #tpu.dimension_semantics<subcore_parallel>], iteration_bounds = array<i64: 2, 16>, scalar_prefetch = 0 : i64, scratch_operands = 9 : i64, tpu.core_type = #tpu.core_type<sc_vector_subcore>, window_params = [{transform_indices = #map}, {transform_indices = #map1}, {transform_indices = #map1}, {transform_indices = #map}, {transform_indices = #map2}, {transform_indices = #map}]} {
    %eq3A = arith.constant 0 : i32
    %eq3A_0 = arith.cmpi eq, %arg0, %eq3A : i32
    %convert_element_type3A = arith.extui %eq3A_0 : i1 to i32
    %cond3A = arith.constant 0 : i32
    %cond3A_1 = arith.cmpi ne, %convert_element_type3A, %cond3A : i32
    scf.if %cond3A_1 {
      %mul3A = arith.constant 64 : i32
      %mul3A_2 = arith.muli %arg1, %mul3A : i32
      %scan3A = arith.constant 0 : i32
      %scan3A_3 = arith.constant 64 : i32
      %scan3A_4 = arith.addi %scan3A, %scan3A_3 : i32
      %scan3A_5 = arith.constant 1 : i32
      scf.for %scan3A_18 = %scan3A to %scan3A_4 step %scan3A_5  : i32 {
        %scan3A_19 = arith.constant 0 : i32
        %scan3A_20 = arith.constant 5 : i32
        %scan3A_21 = arith.addi %scan3A_19, %scan3A_20 : i32
        %scan3A_22 = arith.constant 1 : i32
        scf.for %scan3A_24 = %scan3A_19 to %scan3A_21 step %scan3A_22  : i32 {
          %broadcast_in_dim3A = arith.constant 0.000000e+00 : f32
          %broadcast_in_dim3A_25 = vector.broadcast %broadcast_in_dim3A : f32 to vector<16xf32>
          %mul3A_26 = arith.constant 16 : i32
          %mul3A_27 = arith.muli %scan3A_24, %mul3A_26 : i32
          %swap3A = arith.index_cast %scan3A_18 : i32 to index
          %swap3A_28 = arith.index_cast %mul3A_27 : i32 to index
          %swap3A_29 = tpu.vector_load %arg10[%swap3A, %swap3A_28] {strides = array<i32>} : memref<512x80xf32, #tpu.memory_space<vmem>>, vector<1x16xf32>,
          %swap3A_30 = vector.shape_cast %swap3A_29 : vector<1x16xf32> to vector<16xf32>
          %swap3A_31 = vector.shape_cast %broadcast_in_dim3A_25 : vector<16xf32> to vector<1x16xf32>
          tpu.vector_store %arg10[%swap3A, %swap3A_28], %swap3A_31 {strides = array<i32>} : memref<512x80xf32, #tpu.memory_space<vmem>>, vector<1x16xf32>,
        }
        %scan3A_23 = arith.constant 5 : i32
      }
      %scan3A_6 = arith.constant 64 : i32
      "tpu.region"() ({
        %run_scoped3A = tpu.sem_alloc : memref<!tpu.dma_semaphore, #tpu.memory_space<semaphore_mem>>
        %dma_start3A = arith.constant 0 : i32
        %dma_start3A_18 = arith.constant 0 : i32
        %dma_start3A_19 = tpu.memref_slice %arg10[%dma_start3A, %dma_start3A_18] : memref<512x80xf32, #tpu.memory_space<vmem>> -> memref<64x80xf32, #tpu.memory_space<vmem>>
        %dma_start3A_20 = arith.constant 0 : i32
        %dma_start3A_21 = tpu.memref_slice %arg15[%mul3A_2, %dma_start3A_20] : memref<1024x80xf32, #tpu.memory_space<vmem_shared>> -> memref<64x80xf32, #tpu.memory_space<vmem_shared>>
        %dma_start3A_22 = arith.constant 0 : i32
        %dma_start3A_23 = tpu.memref_slice %arg15[%mul3A_2, %dma_start3A_22] : memref<1024x80xf32, #tpu.memory_space<vmem_shared>> -> memref<64x80xf32, #tpu.memory_space<vmem_shared>>
        %dma_start3A_24 = arith.constant 0 : i32
        %dma_start3A_25 = arith.constant 0 : i32
        %dma_start3A_26 = tpu.memref_slice %arg10[%dma_start3A_24, %dma_start3A_25] : memref<512x80xf32, #tpu.memory_space<vmem>> -> memref<64x80xf32, #tpu.memory_space<vmem>>
        tpu.enqueue_dma source(%dma_start3A_26 : memref<64x80xf32, #tpu.memory_space<vmem>>) target(%dma_start3A_23 : memref<64x80xf32, #tpu.memory_space<vmem_shared>>) target_semaphore(%run_scoped3A : memref<!tpu.dma_semaphore, #tpu.memory_space<semaphore_mem>>)
        %dma_wait3A = arith.constant 0 : i32
        %dma_wait3A_27 = arith.constant 0 : i32
        %dma_wait3A_28 = tpu.memref_slice %arg10[%dma_wait3A, %dma_wait3A_27] : memref<512x80xf32, #tpu.memory_space<vmem>> -> memref<64x80xf32, #tpu.memory_space<vmem>>
        %dma_wait3A_29 = arith.constant 0 : i32
        %dma_wait3A_30 = tpu.memref_slice %arg15[%mul3A_2, %dma_wait3A_29] : memref<1024x80xf32, #tpu.memory_space<vmem_shared>> -> memref<64x80xf32, #tpu.memory_space<vmem_shared>>
        %dma_wait3A_31 = arith.constant 0 : i32
        %dma_wait3A_32 = tpu.memref_slice %arg15[%mul3A_2, %dma_wait3A_31] : memref<1024x80xf32, #tpu.memory_space<vmem_shared>> -> memref<64x80xf32, #tpu.memory_space<vmem_shared>>
        %dma_wait3A_33 = arith.constant 0 : i32
        %dma_wait3A_34 = arith.constant 0 : i32
        %dma_wait3A_35 = tpu.memref_slice %arg10[%dma_wait3A_33, %dma_wait3A_34] : memref<512x80xf32, #tpu.memory_space<vmem>> -> memref<64x80xf32, #tpu.memory_space<vmem>>
        tpu.wait_dma2 semaphore(%run_scoped3A : memref<!tpu.dma_semaphore, #tpu.memory_space<semaphore_mem>>) src(%dma_wait3A_35 : memref<64x80xf32, #tpu.memory_space<vmem>>) dst(%dma_wait3A_32 : memref<64x80xf32, #tpu.memory_space<vmem_shared>>)
        tpu.yield
      }) : () -> ()
      %barrier3A = arith.constant 0 : index
      tpu.barrier barrier_id(%barrier3A)
      "tpu.region"() ({
        %run_scoped3A = tpu.sem_alloc : memref<!tpu.dma_semaphore, #tpu.memory_space<semaphore_mem>>
        %dma_start3A = arith.constant 0 : i32
        %dma_start3A_18 = arith.constant 0 : i32
        %dma_start3A_19 = tpu.memref_slice %arg3[%arg1, %dma_start3A, %dma_start3A_18] : memref<16x8x512xi32, #tpu.memory_space<hbm>> -> memref<1x8x512xi32, #tpu.memory_space<hbm>>
        %dma_start3A_20 = tpu.memref_squeeze %dma_start3A_19 : memref<1x8x512xi32, #tpu.memory_space<hbm>> -> memref<8x512xi32, #tpu.memory_space<hbm>>
        %dma_start3A_21 = arith.constant 0 : i32
        %dma_start3A_22 = arith.constant 0 : i32
        %dma_start3A_23 = tpu.memref_slice %arg3[%arg1, %dma_start3A_21, %dma_start3A_22] : memref<16x8x512xi32, #tpu.memory_space<hbm>> -> memref<1x8x512xi32, #tpu.memory_space<hbm>>
        %dma_start3A_24 = tpu.memref_squeeze %dma_start3A_23 : memref<1x8x512xi32, #tpu.memory_space<hbm>> -> memref<8x512xi32, #tpu.memory_space<hbm>>
        tpu.enqueue_dma source(%dma_start3A_24 : memref<8x512xi32, #tpu.memory_space<hbm>>) target(%arg8 : memref<8x512xi32, #tpu.memory_space<vmem>>) target_semaphore(%run_scoped3A : memref<!tpu.dma_semaphore, #tpu.memory_space<semaphore_mem>>)
        %dma_wait3A = arith.constant 0 : i32
        %dma_wait3A_25 = arith.constant 0 : i32
        %dma_wait3A_26 = tpu.memref_slice %arg3[%arg1, %dma_wait3A, %dma_wait3A_25] : memref<16x8x512xi32, #tpu.memory_space<hbm>> -> memref<1x8x512xi32, #tpu.memory_space<hbm>>
        %dma_wait3A_27 = tpu.memref_squeeze %dma_wait3A_26 : memref<1x8x512xi32, #tpu.memory_space<hbm>> -> memref<8x512xi32, #tpu.memory_space<hbm>>
        %dma_wait3A_28 = arith.constant 0 : i32
        %dma_wait3A_29 = arith.constant 0 : i32
        %dma_wait3A_30 = tpu.memref_slice %arg3[%arg1, %dma_wait3A_28, %dma_wait3A_29] : memref<16x8x512xi32, #tpu.memory_space<hbm>> -> memref<1x8x512xi32, #tpu.memory_space<hbm>>
        %dma_wait3A_31 = tpu.memref_squeeze %dma_wait3A_30 : memref<1x8x512xi32, #tpu.memory_space<hbm>> -> memref<8x512xi32, #tpu.memory_space<hbm>>
        tpu.wait_dma2 semaphore(%run_scoped3A : memref<!tpu.dma_semaphore, #tpu.memory_space<semaphore_mem>>) src(%dma_wait3A_31 : memref<8x512xi32, #tpu.memory_space<hbm>>) dst(%arg8 : memref<8x512xi32, #tpu.memory_space<vmem>>)
        tpu.yield
      }) : () -> ()
      "tpu.region"() ({
        %run_scoped3A = tpu.sem_alloc : memref<!tpu.dma_semaphore, #tpu.memory_space<semaphore_mem>>
        %dma_start3A = arith.constant 0 : i32
        %dma_start3A_18 = arith.constant 0 : i32
        %dma_start3A_19 = tpu.memref_slice %arg4[%arg1, %dma_start3A, %dma_start3A_18] : memref<16x8x512xi32, #tpu.memory_space<hbm>> -> memref<1x8x512xi32, #tpu.memory_space<hbm>>
        %dma_start3A_20 = tpu.memref_squeeze %dma_start3A_19 : memref<1x8x512xi32, #tpu.memory_space<hbm>> -> memref<8x512xi32, #tpu.memory_space<hbm>>
        %dma_start3A_21 = arith.constant 0 : i32
        %dma_start3A_22 = arith.constant 0 : i32
        %dma_start3A_23 = tpu.memref_slice %arg4[%arg1, %dma_start3A_21, %dma_start3A_22] : memref<16x8x512xi32, #tpu.memory_space<hbm>> -> memref<1x8x512xi32, #tpu.memory_space<hbm>>
        %dma_start3A_24 = tpu.memref_squeeze %dma_start3A_23 : memref<1x8x512xi32, #tpu.memory_space<hbm>> -> memref<8x512xi32, #tpu.memory_space<hbm>>
        tpu.enqueue_dma source(%dma_start3A_24 : memref<8x512xi32, #tpu.memory_space<hbm>>) target(%arg9 : memref<8x512xi32, #tpu.memory_space<vmem>>) target_semaphore(%run_scoped3A : memref<!tpu.dma_semaphore, #tpu.memory_space<semaphore_mem>>)
        %dma_wait3A = arith.constant 0 : i32
        %dma_wait3A_25 = arith.constant 0 : i32
        %dma_wait3A_26 = tpu.memref_slice %arg4[%arg1, %dma_wait3A, %dma_wait3A_25] : memref<16x8x512xi32, #tpu.memory_space<hbm>> -> memref<1x8x512xi32, #tpu.memory_space<hbm>>
        %dma_wait3A_27 = tpu.memref_squeeze %dma_wait3A_26 : memref<1x8x512xi32, #tpu.memory_space<hbm>> -> memref<8x512xi32, #tpu.memory_space<hbm>>
        %dma_wait3A_28 = arith.constant 0 : i32
        %dma_wait3A_29 = arith.constant 0 : i32
        %dma_wait3A_30 = tpu.memref_slice %arg4[%arg1, %dma_wait3A_28, %dma_wait3A_29] : memref<16x8x512xi32, #tpu.memory_space<hbm>> -> memref<1x8x512xi32, #tpu.memory_space<hbm>>
        %dma_wait3A_31 = tpu.memref_squeeze %dma_wait3A_30 : memref<1x8x512xi32, #tpu.memory_space<hbm>> -> memref<8x512xi32, #tpu.memory_space<hbm>>
        tpu.wait_dma2 semaphore(%run_scoped3A : memref<!tpu.dma_semaphore, #tpu.memory_space<semaphore_mem>>) src(%dma_wait3A_31 : memref<8x512xi32, #tpu.memory_space<hbm>>) dst(%arg9 : memref<8x512xi32, #tpu.memory_space<vmem>>)
        tpu.yield
      }) : () -> ()
      %scan3A_7 = arith.constant 0 : i32
      %scan3A_8 = arith.constant 8 : i32
      %scan3A_9 = arith.addi %scan3A_7, %scan3A_8 : i32
      %scan3A_10 = arith.constant 1 : i32
      scf.for %scan3A_18 = %scan3A_7 to %scan3A_9 step %scan3A_10  : i32 {
        %dma_start3A = arith.constant 0 : i32
        %dma_start3A_19 = tpu.memref_slice %arg8[%scan3A_18, %dma_start3A] : memref<8x512xi32, #tpu.memory_space<vmem>> -> memref<1x512xi32, #tpu.memory_space<vmem>>
        %dma_start3A_20 = tpu.memref_squeeze %dma_start3A_19 : memref<1x512xi32, #tpu.memory_space<vmem>> -> memref<512xi32, #tpu.memory_space<vmem>>
        %dma_start3A_21 = arith.constant 0 : i32
        %dma_start3A_22 = arith.constant 0 : i32
        %dma_start3A_23 = tpu.memref_slice %arg2[%dma_start3A_21, %dma_start3A_22] : memref<4000x80xf32, #tpu.memory_space<hbm>> -> memref<4000x80xf32, #tpu.memory_space<hbm>>
        tpu.enqueue_indirect_dma source(%dma_start3A_23 : memref<4000x80xf32, #tpu.memory_space<hbm>>) target(%arg10 : memref<512x80xf32, #tpu.memory_space<vmem>>) offsets(%dma_start3A_20 : memref<512xi32, #tpu.memory_space<vmem>>) semaphore(%arg16 : memref<!tpu.dma_semaphore, #tpu.memory_space<semaphore_mem>>)
        %dma_wait3A = arith.constant 0 : i32
        %dma_wait3A_24 = tpu.memref_slice %arg8[%scan3A_18, %dma_wait3A] : memref<8x512xi32, #tpu.memory_space<vmem>> -> memref<1x512xi32, #tpu.memory_space<vmem>>
        %dma_wait3A_25 = tpu.memref_squeeze %dma_wait3A_24 : memref<1x512xi32, #tpu.memory_space<vmem>> -> memref<512xi32, #tpu.memory_space<vmem>>
        %dma_wait3A_26 = arith.constant 0 : i32
        %dma_wait3A_27 = arith.constant 0 : i32
        %dma_wait3A_28 = tpu.memref_slice %arg2[%dma_wait3A_26, %dma_wait3A_27] : memref<4000x80xf32, #tpu.memory_space<hbm>> -> memref<4000x80xf32, #tpu.memory_space<hbm>>
        tpu.wait_indirect_dma semaphore(%arg16 : memref<!tpu.dma_semaphore, #tpu.memory_space<semaphore_mem>>) src(%dma_wait3A_28 : memref<4000x80xf32, #tpu.memory_space<hbm>>) dst(%arg10 : memref<512x80xf32, #tpu.memory_space<vmem>>)
        "tpu.region"() ({
          %run_scoped3A = tpu.sem_alloc : memref<!tpu.dma_semaphore, #tpu.memory_space<semaphore_mem>>
          %dma_start3A_29 = arith.constant 0 : i32
          %dma_start3A_30 = tpu.memref_slice %arg9[%scan3A_18, %dma_start3A_29] : memref<8x512xi32, #tpu.memory_space<vmem>> -> memref<1x512xi32, #tpu.memory_space<vmem>>
          %dma_start3A_31 = tpu.memref_squeeze %dma_start3A_30 : memref<1x512xi32, #tpu.memory_space<vmem>> -> memref<512xi32, #tpu.memory_space<vmem>>
          %dma_start3A_32 = arith.constant 0 : i32
          %dma_start3A_33 = arith.constant 0 : i32
          %dma_start3A_34 = tpu.memref_slice %arg15[%dma_start3A_32, %dma_start3A_33] : memref<1024x80xf32, #tpu.memory_space<vmem_shared>> -> memref<1024x80xf32, #tpu.memory_space<vmem_shared>>
          tpu.enqueue_indirect_dma source(%arg10 : memref<512x80xf32, #tpu.memory_space<vmem>>) target(%dma_start3A_34 : memref<1024x80xf32, #tpu.memory_space<vmem_shared>>) offsets(%dma_start3A_31 : memref<512xi32, #tpu.memory_space<vmem>>) semaphore(%run_scoped3A : memref<!tpu.dma_semaphore, #tpu.memory_space<semaphore_mem>>) {add = true}
          %dma_wait3A_35 = arith.constant 0 : i32
          %dma_wait3A_36 = tpu.memref_slice %arg9[%scan3A_18, %dma_wait3A_35] : memref<8x512xi32, #tpu.memory_space<vmem>> -> memref<1x512xi32, #tpu.memory_space<vmem>>
          %dma_wait3A_37 = tpu.memref_squeeze %dma_wait3A_36 : memref<1x512xi32, #tpu.memory_space<vmem>> -> memref<512xi32, #tpu.memory_space<vmem>>
          %dma_wait3A_38 = arith.constant 0 : i32
          %dma_wait3A_39 = arith.constant 0 : i32
          %dma_wait3A_40 = tpu.memref_slice %arg15[%dma_wait3A_38, %dma_wait3A_39] : memref<1024x80xf32, #tpu.memory_space<vmem_shared>> -> memref<1024x80xf32, #tpu.memory_space<vmem_shared>>
          tpu.wait_indirect_dma semaphore(%run_scoped3A : memref<!tpu.dma_semaphore, #tpu.memory_space<semaphore_mem>>) src(%arg10 : memref<512x80xf32, #tpu.memory_space<vmem>>) dst(%dma_wait3A_40 : memref<1024x80xf32, #tpu.memory_space<vmem_shared>>)
          tpu.yield
        }) : () -> ()
      }
      %scan3A_11 = arith.constant 8 : i32
      %barrier3A_12 = arith.constant 0 : index
      tpu.barrier barrier_id(%barrier3A_12)
      "tpu.region"() ({
        %run_scoped3A = tpu.sem_alloc : memref<!tpu.dma_semaphore, #tpu.memory_space<semaphore_mem>>
        %dma_start3A = arith.constant 0 : i32
        %dma_start3A_18 = tpu.memref_slice %arg15[%mul3A_2, %dma_start3A] : memref<1024x80xf32, #tpu.memory_space<vmem_shared>> -> memref<64x80xf32, #tpu.memory_space<vmem_shared>>
        %dma_start3A_19 = arith.constant 0 : i32
        %dma_start3A_20 = tpu.memref_slice %arg15[%mul3A_2, %dma_start3A_19] : memref<1024x80xf32, #tpu.memory_space<vmem_shared>> -> memref<64x80xf32, #tpu.memory_space<vmem_shared>>
        tpu.enqueue_dma source(%dma_start3A_20 : memref<64x80xf32, #tpu.memory_space<vmem_shared>>) target(%arg12 : memref<64x80xf32, #tpu.memory_space<vmem>>) target_semaphore(%run_scoped3A : memref<!tpu.dma_semaphore, #tpu.memory_space<semaphore_mem>>)
        %dma_wait3A = arith.constant 0 : i32
        %dma_wait3A_21 = tpu.memref_slice %arg15[%mul3A_2, %dma_wait3A] : memref<1024x80xf32, #tpu.memory_space<vmem_shared>> -> memref<64x80xf32, #tpu.memory_space<vmem_shared>>
        %dma_wait3A_22 = arith.constant 0 : i32
        %dma_wait3A_23 = tpu.memref_slice %arg15[%mul3A_2, %dma_wait3A_22] : memref<1024x80xf32, #tpu.memory_space<vmem_shared>> -> memref<64x80xf32, #tpu.memory_space<vmem_shared>>
        tpu.wait_dma2 semaphore(%run_scoped3A : memref<!tpu.dma_semaphore, #tpu.memory_space<semaphore_mem>>) src(%dma_wait3A_23 : memref<64x80xf32, #tpu.memory_space<vmem_shared>>) dst(%arg12 : memref<64x80xf32, #tpu.memory_space<vmem>>)
        tpu.yield
      }) : () -> ()
      "tpu.region"() ({
        %run_scoped3A = tpu.sem_alloc : memref<!tpu.dma_semaphore, #tpu.memory_space<semaphore_mem>>
        %dma_start3A = arith.constant 0 : i32
        %dma_start3A_18 = tpu.memref_slice %arg5[%mul3A_2, %dma_start3A] : memref<4000x64xf32, #tpu.memory_space<hbm>> -> memref<64x64xf32, #tpu.memory_space<hbm>>
        %dma_start3A_19 = arith.constant 0 : i32
        %dma_start3A_20 = tpu.memref_slice %arg5[%mul3A_2, %dma_start3A_19] : memref<4000x64xf32, #tpu.memory_space<hbm>> -> memref<64x64xf32, #tpu.memory_space<hbm>>
        tpu.enqueue_dma source(%dma_start3A_20 : memref<64x64xf32, #tpu.memory_space<hbm>>) target(%arg11 : memref<64x64xf32, #tpu.memory_space<vmem>>) target_semaphore(%run_scoped3A : memref<!tpu.dma_semaphore, #tpu.memory_space<semaphore_mem>>)
        %dma_wait3A = arith.constant 0 : i32
        %dma_wait3A_21 = tpu.memref_slice %arg5[%mul3A_2, %dma_wait3A] : memref<4000x64xf32, #tpu.memory_space<hbm>> -> memref<64x64xf32, #tpu.memory_space<hbm>>
        %dma_wait3A_22 = arith.constant 0 : i32
        %dma_wait3A_23 = tpu.memref_slice %arg5[%mul3A_2, %dma_wait3A_22] : memref<4000x64xf32, #tpu.memory_space<hbm>> -> memref<64x64xf32, #tpu.memory_space<hbm>>
        tpu.wait_dma2 semaphore(%run_scoped3A : memref<!tpu.dma_semaphore, #tpu.memory_space<semaphore_mem>>) src(%dma_wait3A_23 : memref<64x64xf32, #tpu.memory_space<hbm>>) dst(%arg11 : memref<64x64xf32, #tpu.memory_space<vmem>>)
        tpu.yield
      }) : () -> ()
      "tpu.region"() ({
        %run_scoped3A = tpu.sem_alloc : memref<!tpu.dma_semaphore, #tpu.memory_space<semaphore_mem>>
        tpu.enqueue_dma source(%arg6 : memref<64xf32, #tpu.memory_space<hbm>>) target(%arg14 : memref<64xf32, #tpu.memory_space<vmem>>) target_semaphore(%run_scoped3A : memref<!tpu.dma_semaphore, #tpu.memory_space<semaphore_mem>>)
        tpu.wait_dma2 semaphore(%run_scoped3A : memref<!tpu.dma_semaphore, #tpu.memory_space<semaphore_mem>>) src(%arg6 : memref<64xf32, #tpu.memory_space<hbm>>) dst(%arg14 : memref<64xf32, #tpu.memory_space<vmem>>)
        tpu.yield
      }) : () -> ()
      %scan3A_13 = arith.constant 0 : i32
      %scan3A_14 = arith.constant 64 : i32
      %scan3A_15 = arith.addi %scan3A_13, %scan3A_14 : i32
      %scan3A_16 = arith.constant 1 : i32
      scf.for %scan3A_18 = %scan3A_13 to %scan3A_15 step %scan3A_16  : i32 {
        %get3A = arith.index_cast %scan3A_18 : i32 to index
        %get3A_19 = arith.constant 64 : index
        %get3A_20 = tpu.vector_load %arg12[%get3A, %get3A_19] {strides = array<i32>} : memref<64x80xf32, #tpu.memory_space<vmem>>, vector<1x16xf32>,
        %get3A_21 = vector.shape_cast %get3A_20 : vector<1x16xf32> to vector<16xf32>
        %broadcast_in_dim3A = arith.constant 0 : i32
        %broadcast_in_dim3A_22 = vector.broadcast %broadcast_in_dim3A : i32 to vector<16x1xi32>
        %gather3A = vector.shape_cast %broadcast_in_dim3A_22 : vector<16x1xi32> to vector<16xi32>
        %gather3A_23 = tpu.dynamic_gather %get3A_21[%gather3A] in [0] : vector<16xf32>, vector<16xi32> -> vector<16xf32>
        %max3A = arith.constant 1.000000e+00 : f32
        %max3A_24 = vector.broadcast %max3A : f32 to vector<16xf32>
        %max3A_25 = arith.maximumf %gather3A_23, %max3A_24 : vector<16xf32>
        %get3A_26 = arith.index_cast %scan3A_18 : i32 to index
        %get3A_27 = arith.constant 0 : index
        %get3A_28 = tpu.vector_load %arg11[%get3A_26, %get3A_27] {strides = array<i32>} : memref<64x64xf32, #tpu.memory_space<vmem>>, vector<1x16xf32>,
        %get3A_29 = vector.shape_cast %get3A_28 : vector<1x16xf32> to vector<16xf32>
        %get3A_30 = arith.index_cast %scan3A_18 : i32 to index
        %get3A_31 = arith.constant 0 : index
        %get3A_32 = tpu.vector_load %arg12[%get3A_30, %get3A_31] {strides = array<i32>} : memref<64x80xf32, #tpu.memory_space<vmem>>, vector<1x16xf32>,
        %get3A_33 = vector.shape_cast %get3A_32 : vector<1x16xf32> to vector<16xf32>
        %div3A = arith.divf %get3A_33, %max3A_25 : vector<16xf32>
        %add3A = arith.addf %get3A_29, %div3A : vector<16xf32>
        %get3A_34 = arith.constant 0 : index
        %get3A_35 = tpu.vector_load %arg14[%get3A_34] {strides = array<i32>} : memref<64xf32, #tpu.memory_space<vmem>>, vector<16xf32>,
        %get3A_36 = vector.shape_cast %get3A_35 : vector<16xf32> to vector<16xf32>
        %add3A_37 = arith.addf %add3A, %get3A_36 : vector<16xf32>
        %swap3A = arith.index_cast %scan3A_18 : i32 to index
        %swap3A_38 = arith.constant 0 : index
        %swap3A_39 = tpu.vector_load %arg13[%swap3A, %swap3A_38] {strides = array<i32>} : memref<64x64xf32, #tpu.memory_space<vmem>>, vector<1x16xf32>,
        %swap3A_40 = vector.shape_cast %swap3A_39 : vector<1x16xf32> to vector<16xf32>
        %swap3A_41 = vector.shape_cast %add3A_37 : vector<16xf32> to vector<1x16xf32>
        tpu.vector_store %arg13[%swap3A, %swap3A_38], %swap3A_41 {strides = array<i32>} : memref<64x64xf32, #tpu.memory_space<vmem>>, vector<1x16xf32>,
        %get3A_42 = arith.index_cast %scan3A_18 : i32 to index
        %get3A_43 = arith.constant 16 : index
        %get3A_44 = tpu.vector_load %arg11[%get3A_42, %get3A_43] {strides = array<i32>} : memref<64x64xf32, #tpu.memory_space<vmem>>, vector<1x16xf32>,
        %get3A_45 = vector.shape_cast %get3A_44 : vector<1x16xf32> to vector<16xf32>
        %get3A_46 = arith.index_cast %scan3A_18 : i32 to index
        %get3A_47 = arith.constant 16 : index
        %get3A_48 = tpu.vector_load %arg12[%get3A_46, %get3A_47] {strides = array<i32>} : memref<64x80xf32, #tpu.memory_space<vmem>>, vector<1x16xf32>,
        %get3A_49 = vector.shape_cast %get3A_48 : vector<1x16xf32> to vector<16xf32>
        %div3A_50 = arith.divf %get3A_49, %max3A_25 : vector<16xf32>
        %add3A_51 = arith.addf %get3A_45, %div3A_50 : vector<16xf32>
        %get3A_52 = arith.constant 16 : index
        %get3A_53 = tpu.vector_load %arg14[%get3A_52] {strides = array<i32>} : memref<64xf32, #tpu.memory_space<vmem>>, vector<16xf32>,
        %get3A_54 = vector.shape_cast %get3A_53 : vector<16xf32> to vector<16xf32>
        %add3A_55 = arith.addf %add3A_51, %get3A_54 : vector<16xf32>
        %swap3A_56 = arith.index_cast %scan3A_18 : i32 to index
        %swap3A_57 = arith.constant 16 : index
        %swap3A_58 = tpu.vector_load %arg13[%swap3A_56, %swap3A_57] {strides = array<i32>} : memref<64x64xf32, #tpu.memory_space<vmem>>, vector<1x16xf32>,
        %swap3A_59 = vector.shape_cast %swap3A_58 : vector<1x16xf32> to vector<16xf32>
        %swap3A_60 = vector.shape_cast %add3A_55 : vector<16xf32> to vector<1x16xf32>
        tpu.vector_store %arg13[%swap3A_56, %swap3A_57], %swap3A_60 {strides = array<i32>} : memref<64x64xf32, #tpu.memory_space<vmem>>, vector<1x16xf32>,
        %get3A_61 = arith.index_cast %scan3A_18 : i32 to index
        %get3A_62 = arith.constant 32 : index
        %get3A_63 = tpu.vector_load %arg11[%get3A_61, %get3A_62] {strides = array<i32>} : memref<64x64xf32, #tpu.memory_space<vmem>>, vector<1x16xf32>,
        %get3A_64 = vector.shape_cast %get3A_63 : vector<1x16xf32> to vector<16xf32>
        %get3A_65 = arith.index_cast %scan3A_18 : i32 to index
        %get3A_66 = arith.constant 32 : index
        %get3A_67 = tpu.vector_load %arg12[%get3A_65, %get3A_66] {strides = array<i32>} : memref<64x80xf32, #tpu.memory_space<vmem>>, vector<1x16xf32>,
        %get3A_68 = vector.shape_cast %get3A_67 : vector<1x16xf32> to vector<16xf32>
        %div3A_69 = arith.divf %get3A_68, %max3A_25 : vector<16xf32>
        %add3A_70 = arith.addf %get3A_64, %div3A_69 : vector<16xf32>
        %get3A_71 = arith.constant 32 : index
        %get3A_72 = tpu.vector_load %arg14[%get3A_71] {strides = array<i32>} : memref<64xf32, #tpu.memory_space<vmem>>, vector<16xf32>,
        %get3A_73 = vector.shape_cast %get3A_72 : vector<16xf32> to vector<16xf32>
        %add3A_74 = arith.addf %add3A_70, %get3A_73 : vector<16xf32>
        %swap3A_75 = arith.index_cast %scan3A_18 : i32 to index
        %swap3A_76 = arith.constant 32 : index
        %swap3A_77 = tpu.vector_load %arg13[%swap3A_75, %swap3A_76] {strides = array<i32>} : memref<64x64xf32, #tpu.memory_space<vmem>>, vector<1x16xf32>,
        %swap3A_78 = vector.shape_cast %swap3A_77 : vector<1x16xf32> to vector<16xf32>
        %swap3A_79 = vector.shape_cast %add3A_74 : vector<16xf32> to vector<1x16xf32>
        tpu.vector_store %arg13[%swap3A_75, %swap3A_76], %swap3A_79 {strides = array<i32>} : memref<64x64xf32, #tpu.memory_space<vmem>>, vector<1x16xf32>,
        %get3A_80 = arith.index_cast %scan3A_18 : i32 to index
        %get3A_81 = arith.constant 48 : index
        %get3A_82 = tpu.vector_load %arg11[%get3A_80, %get3A_81] {strides = array<i32>} : memref<64x64xf32, #tpu.memory_space<vmem>>, vector<1x16xf32>,
        %get3A_83 = vector.shape_cast %get3A_82 : vector<1x16xf32> to vector<16xf32>
        %get3A_84 = arith.index_cast %scan3A_18 : i32 to index
        %get3A_85 = arith.constant 48 : index
        %get3A_86 = tpu.vector_load %arg12[%get3A_84, %get3A_85] {strides = array<i32>} : memref<64x80xf32, #tpu.memory_space<vmem>>, vector<1x16xf32>,
        %get3A_87 = vector.shape_cast %get3A_86 : vector<1x16xf32> to vector<16xf32>
        %div3A_88 = arith.divf %get3A_87, %max3A_25 : vector<16xf32>
        %add3A_89 = arith.addf %get3A_83, %div3A_88 : vector<16xf32>
        %get3A_90 = arith.constant 48 : index
        %get3A_91 = tpu.vector_load %arg14[%get3A_90] {strides = array<i32>} : memref<64xf32, #tpu.memory_space<vmem>>, vector<16xf32>,
        %get3A_92 = vector.shape_cast %get3A_91 : vector<16xf32> to vector<16xf32>
        %add3A_93 = arith.addf %add3A_89, %get3A_92 : vector<16xf32>
        %swap3A_94 = arith.index_cast %scan3A_18 : i32 to index
        %swap3A_95 = arith.constant 48 : index
        %swap3A_96 = tpu.vector_load %arg13[%swap3A_94, %swap3A_95] {strides = array<i32>} : memref<64x64xf32, #tpu.memory_space<vmem>>, vector<1x16xf32>,
        %swap3A_97 = vector.shape_cast %swap3A_96 : vector<1x16xf32> to vector<16xf32>
        %swap3A_98 = vector.shape_cast %add3A_93 : vector<16xf32> to vector<1x16xf32>
        tpu.vector_store %arg13[%swap3A_94, %swap3A_95], %swap3A_98 {strides = array<i32>} : memref<64x64xf32, #tpu.memory_space<vmem>>, vector<1x16xf32>,
      }
      %scan3A_17 = arith.constant 64 : i32
      "tpu.region"() ({
        %run_scoped3A = tpu.sem_alloc : memref<!tpu.dma_semaphore, #tpu.memory_space<semaphore_mem>>
        %dma_start3A = arith.constant 0 : i32
        %dma_start3A_18 = tpu.memref_slice %arg7[%mul3A_2, %dma_start3A] : memref<1024x64xf32, #tpu.memory_space<hbm>> -> memref<64x64xf32, #tpu.memory_space<hbm>>
        %dma_start3A_19 = arith.constant 0 : i32
        %dma_start3A_20 = tpu.memref_slice %arg7[%mul3A_2, %dma_start3A_19] : memref<1024x64xf32, #tpu.memory_space<hbm>> -> memref<64x64xf32, #tpu.memory_space<hbm>>
        tpu.enqueue_dma source(%arg13 : memref<64x64xf32, #tpu.memory_space<vmem>>) target(%dma_start3A_20 : memref<64x64xf32, #tpu.memory_space<hbm>>) target_semaphore(%run_scoped3A : memref<!tpu.dma_semaphore, #tpu.memory_space<semaphore_mem>>)
        %dma_wait3A = arith.constant 0 : i32
        %dma_wait3A_21 = tpu.memref_slice %arg7[%mul3A_2, %dma_wait3A] : memref<1024x64xf32, #tpu.memory_space<hbm>> -> memref<64x64xf32, #tpu.memory_space<hbm>>
        %dma_wait3A_22 = arith.constant 0 : i32
        %dma_wait3A_23 = tpu.memref_slice %arg7[%mul3A_2, %dma_wait3A_22] : memref<1024x64xf32, #tpu.memory_space<hbm>> -> memref<64x64xf32, #tpu.memory_space<hbm>>
        tpu.wait_dma2 semaphore(%run_scoped3A : memref<!tpu.dma_semaphore, #tpu.memory_space<semaphore_mem>>) src(%arg13 : memref<64x64xf32, #tpu.memory_space<vmem>>) dst(%dma_wait3A_23 : memref<64x64xf32, #tpu.memory_space<hbm>>)
        tpu.yield
      }) : () -> ()
    } else {
    }
    return
  }
}

module attributes {stable_mosaic.version = 14 : i64} {
  func.func @_tc1_body(%arg0: i32, %arg1: memref<400x128xf32, #tpu.memory_space<vmem>>, %arg2: memref<2x400x144xf32, #tpu.memory_space<vmem>>, %arg3: memref<128x256xf32, #tpu.memory_space<vmem>>, %arg4: memref<128x256xf32, #tpu.memory_space<vmem>>, %arg5: memref<1x256xf32, #tpu.memory_space<vmem>>, %arg6: memref<256x80xf32, #tpu.memory_space<vmem>>, %arg7: memref<256x64xf32, #tpu.memory_space<vmem>>, %arg8: memref<400x80xf32, #tpu.memory_space<vmem>>, %arg9: memref<400x64xf32, #tpu.memory_space<vmem>>) attributes {dimension_semantics = [#tpu.dimension_semantics<arbitrary>], iteration_bounds = array<i64: 10>, scalar_prefetch = 0 : i64, scratch_operands = 0 : i64, tpu.core_type = #tpu.core_type<tc>, window_params = [{transform_indices = @transform_0, window_bounds = array<i64: 400, 128>}, {transform_indices = @transform_1, window_bounds = array<i64: 2, 400, 144>}, {pipeline_mode = #tpu.pipeline_mode<synchronous>, transform_indices = @transform_2, window_bounds = array<i64: 128, 256>}, {pipeline_mode = #tpu.pipeline_mode<synchronous>, transform_indices = @transform_3, window_bounds = array<i64: 128, 256>}, {pipeline_mode = #tpu.pipeline_mode<synchronous>, transform_indices = @transform_4, window_bounds = array<i64: 1, 256>}, {pipeline_mode = #tpu.pipeline_mode<synchronous>, transform_indices = @transform_5, window_bounds = array<i64: 256, 80>}, {pipeline_mode = #tpu.pipeline_mode<synchronous>, transform_indices = @transform_6, window_bounds = array<i64: 256, 64>}, {transform_indices = @transform_7, window_bounds = array<i64: 400, 80>}, {transform_indices = @transform_8, window_bounds = array<i64: 400, 64>}]} {
    %get3A = arith.constant 0 : index
    %get3A_0 = arith.constant 0 : index
    %get3A_1 = arith.constant 0 : index
    %get3A_2 = vector.load %arg2[%get3A, %get3A_0, %get3A_1] : memref<2x400x144xf32, #tpu.memory_space<vmem>>, vector<1x400x144xf32>
    %get3A_3 = vector.shape_cast %get3A_2 : vector<1x400x144xf32> to vector<400x144xf32>
    %get3A_4 = arith.constant 1 : index
    %get3A_5 = arith.constant 0 : index
    %get3A_6 = arith.constant 0 : index
    %get3A_7 = vector.load %arg2[%get3A_4, %get3A_5, %get3A_6] : memref<2x400x144xf32, #tpu.memory_space<vmem>>, vector<1x400x144xf32>
    %get3A_8 = vector.shape_cast %get3A_7 : vector<1x400x144xf32> to vector<400x144xf32>
    %add3A = arith.addf %get3A_3, %get3A_8 : vector<400x144xf32>
    %slice3A = vector.extract_strided_slice %add3A {offsets = [0, 128], sizes = [400, 1], strides = [1, 1]} : vector<400x144xf32> to vector<400x1xf32>
    %max3A = arith.constant 1.000000e+00 : f32
    %max3A_9 = vector.broadcast %max3A : f32 to vector<400x1xf32>
    %max3A_10 = arith.maximumf %slice3A, %max3A_9 : vector<400x1xf32>
    %slice3A_11 = vector.extract_strided_slice %add3A {offsets = [0, 0], sizes = [400, 128], strides = [1, 1]} : vector<400x144xf32> to vector<400x128xf32>
    %div3A = vector.broadcast %max3A_10 : vector<400x1xf32> to vector<400x128xf32>
    %div3A_12 = arith.divf %slice3A_11, %div3A : vector<400x128xf32>
    %get3A_13 = arith.constant 0 : index
    %get3A_14 = arith.constant 0 : index
    %get3A_15 = vector.load %arg1[%get3A_13, %get3A_14] : memref<400x128xf32, #tpu.memory_space<vmem>>, vector<400x128xf32>
    %get3A_16 = arith.constant 0 : index
    %get3A_17 = arith.constant 0 : index
    %get3A_18 = vector.load %arg3[%get3A_16, %get3A_17] : memref<128x256xf32, #tpu.memory_space<vmem>>, vector<128x256xf32>
    %dot_general3A = arith.constant dense<0.000000e+00> : vector<400x256xf32>
    %dot_general3A_19 = tpu.matmul %get3A_15, %get3A_18, %dot_general3A {dimension_numbers = #tpu.dot_dimension_numbers<[1], [0], [0], [1], [0, 0, 1, 1], [], []>, transpose_lhs_hint = false} : vector<400x128xf32>, vector<128x256xf32>, vector<400x256xf32> -> vector<400x256xf32>
    %get3A_20 = arith.constant 0 : index
    %get3A_21 = arith.constant 0 : index
    %get3A_22 = vector.load %arg4[%get3A_20, %get3A_21] : memref<128x256xf32, #tpu.memory_space<vmem>>, vector<128x256xf32>
    %dot_general3A_23 = arith.constant dense<0.000000e+00> : vector<400x256xf32>
    %dot_general3A_24 = tpu.matmul %div3A_12, %get3A_22, %dot_general3A_23 {dimension_numbers = #tpu.dot_dimension_numbers<[1], [0], [0], [1], [0, 0, 1, 1], [], []>, transpose_lhs_hint = false} : vector<400x128xf32>, vector<128x256xf32>, vector<400x256xf32> -> vector<400x256xf32>
    %add3A_25 = arith.addf %dot_general3A_19, %dot_general3A_24 : vector<400x256xf32>
    %get3A_26 = arith.constant 0 : index
    %get3A_27 = arith.constant 0 : index
    %get3A_28 = vector.load %arg5[%get3A_26, %get3A_27] : memref<1x256xf32, #tpu.memory_space<vmem>>, vector<1x256xf32>
    %add3A_29 = vector.broadcast %get3A_28 : vector<1x256xf32> to vector<400x256xf32>
    %add3A_30 = arith.addf %add3A_25, %add3A_29 : vector<400x256xf32>
    %max3A_31 = arith.constant 0.000000e+00 : f32
    %max3A_32 = vector.broadcast %max3A_31 : f32 to vector<400x256xf32>
    %max3A_33 = arith.maximumf %add3A_30, %max3A_32 : vector<400x256xf32>
    %iota3A = tpu.iota {dimensions = array<i32: 1>} : vector<1x80xi32>
    %eq3A = arith.constant 64 : i32
    %eq3A_34 = vector.broadcast %eq3A : i32 to vector<1x80xi32>
    %eq3A_35 = arith.cmpi eq, %iota3A, %eq3A_34 : vector<1x80xi32>
    %jit3A = arith.constant 1.000000e+00 : f32
    %jit3A_36 = arith.constant 0.000000e+00 : f32
    %broadcast_in_dim3A = vector.broadcast %jit3A : f32 to vector<1x80xf32>
    %broadcast_in_dim3A_37 = vector.broadcast %jit3A_36 : f32 to vector<1x80xf32>
    %select_n3A = arith.select %eq3A_35, %broadcast_in_dim3A, %broadcast_in_dim3A_37 : vector<1x80xi1>, vector<1x80xf32>
    %get3A_38 = arith.constant 0 : index
    %get3A_39 = arith.constant 0 : index
    %get3A_40 = vector.load %arg6[%get3A_38, %get3A_39] : memref<256x80xf32, #tpu.memory_space<vmem>>, vector<256x80xf32>
    %dot_general3A_41 = arith.constant dense<0.000000e+00> : vector<400x80xf32>
    %dot_general3A_42 = tpu.matmul %max3A_33, %get3A_40, %dot_general3A_41 {dimension_numbers = #tpu.dot_dimension_numbers<[1], [0], [0], [1], [0, 0, 1, 1], [], []>, transpose_lhs_hint = false} : vector<400x256xf32>, vector<256x80xf32>, vector<400x80xf32> -> vector<400x80xf32>
    %add3A_43 = vector.broadcast %select_n3A : vector<1x80xf32> to vector<400x80xf32>
    %add3A_44 = arith.addf %dot_general3A_42, %add3A_43 : vector<400x80xf32>
    %swap3A = arith.constant 0 : index
    %swap3A_45 = arith.constant 0 : index
    %swap3A_46 = vector.load %arg8[%swap3A, %swap3A_45] : memref<400x80xf32, #tpu.memory_space<vmem>>, vector<400x80xf32>
    tpu.vector_store %arg8[%swap3A, %swap3A_45], %add3A_44 {strides = array<i32>} : memref<400x80xf32, #tpu.memory_space<vmem>>, vector<400x80xf32>,
    %get3A_47 = arith.constant 0 : index
    %get3A_48 = arith.constant 0 : index
    %get3A_49 = vector.load %arg7[%get3A_47, %get3A_48] : memref<256x64xf32, #tpu.memory_space<vmem>>, vector<256x64xf32>
    %dot_general3A_50 = arith.constant dense<0.000000e+00> : vector<400x64xf32>
    %dot_general3A_51 = tpu.matmul %max3A_33, %get3A_49, %dot_general3A_50 {dimension_numbers = #tpu.dot_dimension_numbers<[1], [0], [0], [1], [0, 0, 1, 1], [], []>, transpose_lhs_hint = false} : vector<400x256xf32>, vector<256x64xf32>, vector<400x64xf32> -> vector<400x64xf32>
    %swap3A_52 = arith.constant 0 : index
    %swap3A_53 = arith.constant 0 : index
    %swap3A_54 = vector.load %arg9[%swap3A_52, %swap3A_53] : memref<400x64xf32, #tpu.memory_space<vmem>>, vector<400x64xf32>
    tpu.vector_store %arg9[%swap3A_52, %swap3A_53], %dot_general3A_51 {strides = array<i32>} : memref<400x64xf32, #tpu.memory_space<vmem>>, vector<400x64xf32>,
    return
  }
  func.func @transform_0(%arg0: i32) -> (i32, i32) {
    %c0_i32 = arith.constant 0 : i32
    %c0_i32_0 = arith.constant 0 : i32
    return %arg0, %c0_i32 : i32, i32
  }
  func.func @transform_1(%arg0: i32) -> (i32, i32, i32) {
    %c0_i32 = arith.constant 0 : i32
    %c0_i32_0 = arith.constant 0 : i32
    %c0_i32_1 = arith.constant 0 : i32
    return %c0_i32, %arg0, %c0_i32_0 : i32, i32, i32
  }
  func.func @transform_2(%arg0: i32) -> (i32, i32) {
    %c0_i32 = arith.constant 0 : i32
    %c0_i32_0 = arith.constant 0 : i32
    %c0_i32_1 = arith.constant 0 : i32
    return %c0_i32, %c0_i32_0 : i32, i32
  }
  func.func @transform_3(%arg0: i32) -> (i32, i32) {
    %c0_i32 = arith.constant 0 : i32
    %c0_i32_0 = arith.constant 0 : i32
    %c0_i32_1 = arith.constant 0 : i32
    return %c0_i32, %c0_i32_0 : i32, i32
  }
  func.func @transform_4(%arg0: i32) -> (i32, i32) {
    %c0_i32 = arith.constant 0 : i32
    %c0_i32_0 = arith.constant 0 : i32
    %c0_i32_1 = arith.constant 0 : i32
    return %c0_i32, %c0_i32_0 : i32, i32
  }
  func.func @transform_5(%arg0: i32) -> (i32, i32) {
    %c0_i32 = arith.constant 0 : i32
    %c0_i32_0 = arith.constant 0 : i32
    %c0_i32_1 = arith.constant 0 : i32
    return %c0_i32, %c0_i32_0 : i32, i32
  }
  func.func @transform_6(%arg0: i32) -> (i32, i32) {
    %c0_i32 = arith.constant 0 : i32
    %c0_i32_0 = arith.constant 0 : i32
    %c0_i32_1 = arith.constant 0 : i32
    return %c0_i32, %c0_i32_0 : i32, i32
  }
  func.func @transform_7(%arg0: i32) -> (i32, i32) {
    %c0_i32 = arith.constant 0 : i32
    %c0_i32_0 = arith.constant 0 : i32
    return %arg0, %c0_i32 : i32, i32
  }
  func.func @transform_8(%arg0: i32) -> (i32, i32) {
    %c0_i32 = arith.constant 0 : i32
    %c0_i32_0 = arith.constant 0 : i32
    return %arg0, %c0_i32 : i32, i32
  }
}

</mosaic_0001>

<sc_bundles>
// kernel: kernel.5.cloned.1.call-start
scs
__scs_entry_jumppad:
0x0: {  	(pc) =	sbr.rel $0x88, $3  }
0x1: {  	(tag) =	ssettag $0x0;
	lr =	simm.s32 $0x1  }
0x2: {  	[smem:$0x3F98] =	sst lr;
	_ =	strace $0xD0000000  }
0x3: {  	_ = 	snop  }
0x4: {  	_ = 	snop  }
0x5: {  	_ = 	snop  }
0x6: {  	_ = 	snop  }
0x7: {  	_ = 	snop  }
__scs_overlays_trampoline_lowered:
0x8: {  	[smem:$0x3FA7] =	sst s0  }
0x9: {  	[smem:$0x3FA8] =	sst s1  }
0xa: {  	[smem:$0x3FA9] =	sst s2  }
0xb: {  	[smem:$0x3FAA] =	sst s3  }
0xc: {  	[smem:$0x3FAB] =	sst s4  }
0xd: {  	[smem:$0x3FAC] =	sst s5  }
0xe: {  	[smem:$0x3FAD] =	sst s6  }
0xf: {  	[smem:$0x3FAE] =	sst s7  }
0x10: {  	[smem:$0x3FAF] =	sst s8  }
0x11: {  	[smem:$0x3FB0] =	sst s9;
	s0 =	simm.s32 @!p0 $0x0  }
0x12: {  	s1 =	sld [smem:$0x3F96];
	s0 =	simm.s32 @p0 $0x1  }
0x13: {  	[smem:$0x3FB1] =	sst s0;
	s0 =	simm.s32 @!p1 $0x0  }
0x14: {  	s2 =	sld [smem:$0x3F95];
	s0 =	simm.s32 @p1 $0x1  }
0x15: {  	[smem:$0x3FB2] =	sst s0;
	s0 =	simm.s32 @!p2 $0x0  }
0x16: {  	s3 =	sld [smem:$0x3FDB];
	s0 =	simm.s32 @p2 $0x1  }
0x17: {  	s4 =	simm.s32 $0x1BF5;
	[smem:$0x3FB4] =	sst s0  }
0x18: {  	s0 =	sld [smem:$0x3F97];
	_ =	swait.ge [sflag:s4], $0x0  }
0x19: {  	s7 =	sld [smem:$0x3F98]  }
0x1a: {  	s8 =	sadd.s32 $0xFFFFE003, lr  }
0x1b: {  	s9 =	sadd.s32 $0xFFFFFEF7, lr;
	s5 =	simm.s32 $0xFFFFFFFF;
	p2 =	slt.u32 s8, $0xFFFFF086  }
0x1c: {  	p1 =	slt.u32 s9, $0xF7A;
	s5 =	simm.s32 @!p2 $0x0  }
0x1d: {  	s5 =	simm.s32 @p1 $0x1;
	p0 =	seq.s32 s7, s2  }
0x1e: {  	s7 =	smul.u32 @!p0 $0xF7A, s2;
	p2 =	seq.s32 @!p0 s5, $0x0  }
0x1f: {  	s9 =	smul.u32 $0xF7A, s1;
	s8 =	simm.s32 @!p0 $0x1BF5;
	p2 =	por !p2, p0  }
0x20: {  	[sflag:s8] =	ssyncset.s32 @!p0 $0xFFFFF086;
	s6 =	sadd.s32 @!p0 s3, s7;
	s7 =	simm.s32 @!p0 $0x108  }
0x21: {  	s3 =	sadd.s32 s3, s9;
	s6 =	sadd.s32 @!p0 $0x88, s6;
	s7 =	simm.s32 @p2 $0x1082  }
0x22: {  	[simem:s7], [sflag:s8] =	dma.local @!p0 [hbm:s6], $0xF7A  }
0x23: {  	s9 =	sor.u32 $0xD0000000, s2;
	s6 =	simm.s32 $0x108;
	_ =	swait.ge @!p0 [sflag:s8], $0x0  }
0x24: {  	s3 =	sadd.s32 $0x88, s3;
	s6 =	simm.s32 @!p1 $0x1082;
	[sflag:s4] =	ssyncset.s32 $0xFFFFF086  }
0x25: {  	[simem:s6], [sflag:s4] =	dma.local [hbm:s3], $0xF7A  }
0x26: {  	[smem:$0x3F98] =	sst s1;
	(tag) =	ssettag s2;
	_ =	strace s9  }
0x27: {  	s1 =	sld [smem:$0x3FA8]  }
0x28: {  	s2 =	sld [smem:$0x3FA9]  }
0x29: {  	s4 =	sld [smem:$0x3FAB]  }
0x2a: {  	p0 =	seq.s32 s5, $0x0;
	s5 =	sld [smem:$0x3FAC]  }
0x2b: {  	s6 =	sld [smem:$0x3FAD]  }
0x2c: {  	s7 =	sld [smem:$0x3FAE]  }
0x2d: {  	s3 =	simm.s32 $0x108;
	s8 =	sld [smem:$0x3FAF]  }
0x2e: {  	s3 =	simm.s32 @!p0 $0x1082;
	s9 =	sld [smem:$0x3FB0]  }
0x2f: {  	lr =	sadd.s32 s0, s3;
	s0 =	sld [smem:$0x3FA7]  }
0x30: {  	s3 =	sld [smem:$0x3FAA]  }
0x31: {  	[smem:$0x3FB3] =	sst s10  }
0x32: {  	s10 =	sld [smem:$0x3FB1];
	_ =	sdelay $0x3  }
0x33: {  	p0 =	seq.s32 s10, $0x1;
	s10 =	sld [smem:$0x3FB3];
	_ =	sdelay $0x3  }
0x34: {  	[smem:$0x3FB3] =	sst s10  }
0x35: {  	s10 =	sld [smem:$0x3FB2];
	_ =	sdelay $0x3  }
0x36: {  	p1 =	seq.s32 s10, $0x1;
	s10 =	sld [smem:$0x3FB3];
	_ =	sdelay $0x3  }
0x37: {  	[smem:$0x3FB3] =	sst s10  }
0x38: {  	s10 =	sld [smem:$0x3FB4]  }
0x39: {  	_ = 	snop;
	(pc) =	sbr.ind lr, $3  }
0x3a: {  	_ = 	snop  }
0x3b: {  	_ = 	snop  }
0x3c: {  	p2 =	seq.s32 s10, $0x1;
	s10 =	sld [smem:$0x3FB3]  }
0x3d: {  	_ =	shalt  }
0x3e: {  	_ =	shalt  }
0x3f: {  	_ =	shalt  }
0x40: {  	_ =	shalt  }
0x41: {  	_ =	shalt  }
0x42: {  	_ =	shalt  }
0x43: {  	_ =	shalt  }
0x44: {  	_ =	shalt  }
0x45: {  	_ =	shalt  }
0x46: {  	_ =	shalt  }
0x47: {  	_ =	shalt  }
0x48: {  	_ =	shalt  }
0x49: {  	_ =	shalt  }
0x4a: {  	_ =	shalt  }
0x4b: {  	_ =	shalt  }
0x4c: {  	_ =	shalt  }
0x4d: {  	_ =	shalt  }
0x4e: {  	_ =	shalt  }
0x4f: {  	_ =	shalt  }
0x50: {  	_ =	shalt  }
0x51: {  	_ =	shalt  }
0x52: {  	_ =	shalt  }
0x53: {  	_ =	shalt  }
0x54: {  	_ =	shalt  }
0x55: {  	_ =	shalt  }
0x56: {  	_ =	shalt  }
0x57: {  	_ =	shalt  }
0x58: {  	_ =	shalt  }
0x59: {  	_ =	shalt  }
0x5a: {  	_ =	shalt  }
0x5b: {  	_ =	shalt  }
0x5c: {  	_ =	shalt  }
0x5d: {  	_ =	shalt  }
0x5e: {  	_ =	shalt  }
0x5f: {  	_ =	shalt  }
0x60: {  	_ =	shalt  }
0x61: {  	_ =	shalt  }
0x62: {  	_ =	shalt  }
0x63: {  	_ =	shalt  }
0x64: {  	_ =	shalt  }
0x65: {  	_ =	shalt  }
0x66: {  	_ =	shalt  }
0x67: {  	_ =	shalt  }
0x68: {  	_ =	shalt  }
0x69: {  	_ =	shalt  }
0x6a: {  	_ =	shalt  }
0x6b: {  	_ =	shalt  }
0x6c: {  	_ =	shalt  }
0x6d: {  	_ =	shalt  }
0x6e: {  	_ =	shalt  }
0x6f: {  	_ =	shalt  }
0x70: {  	_ =	shalt  }
0x71: {  	_ =	shalt  }
0x72: {  	_ =	shalt  }
0x73: {  	_ =	shalt  }
0x74: {  	_ =	shalt  }
0x75: {  	_ =	shalt  }
0x76: {  	_ =	shalt  }
0x77: {  	_ =	shalt  }
0x78: {  	_ =	shalt  }
0x79: {  	_ =	shalt  }
0x7a: {  	_ =	shalt  }
0x7b: {  	_ =	shalt  }
0x7c: {  	_ =	shalt  }
0x7d: {  	_ =	shalt  }
0x7e: {  	_ =	shalt  }
0x7f: {  	_ =	shalt  }
0x80: {  	_ =	shalt  }
0x81: {  	_ =	shalt  }
0x82: {  	_ =	shalt  }
0x83: {  	_ =	shalt  }
0x84: {  	_ =	shalt  }
0x85: {  	_ =	shalt  }
0x86: {  	_ =	shalt  }
0x87: {  	_ =	shalt  }
.Lfunc_end0:
.L_simem_size_0:
called_computation_lowered:
.L_overlay_start_0:
0x88: {  	s2 =	sld [smem:$0x3FD9]  }
0x89: {  	s3 =	sld [smem:$0x3FFE];
	_ =	sdelay $0x1  }
0x8a: {  	s1 =	srdreg.scid  }
0x8b: {  	s0 =	sand.u32 $0x1, s1  }
0x8c: {  	s16 =	sshll.u32 s0, $0xA;
	s2 =	sadd.s32 s3, s2  }
0x8d: {  	s2 =	sadd.s32 s2, s16  }
0x8e: {  	[smem:$0x3FBF] =	sst s2  }
0x8f: {  	_ = 	snop  }
0x90: {  	(tm) =	ssettm $0x1  }
0x91: {  	s17 =	sld [smem:$0x3FFB];
	_ =	sdelay $0x3  }
0x92: {  	_ =	strace s17  }
0x93: {  	s2 =	sld [smem:$0x3FFC];
	_ =	sdelay $0x3  }
0x94: {  	_ =	strace s2  }
0x95: {  	s2 =	sld [smem:$0x3FFD];
	_ =	sdelay $0x3  }
0x96: {  	_ =	strace s2  }
0x97: {  	_ =	strace $0x8FFFFFFF  }
0x98: {  	s18 =	sld [smem:$0x3FDB];
	_ =	sdelay $0x1  }
0x99: {  	s19 =	simm.s32 $_scs_section_size  }
0x9a: {  	s4 =	simm.s32 $_size__tile_overlayer_lowered;
	s5 =	simm.s32 $_tile_overlayer_lowered  }
0x9b: {  	s22 =	simm.s32 $0x1BFF;
	s21 =	sshll.u32 s5, $0x1;
	s2 =	sadd.s32 s19, s18  }
0x9c: {  	s6 =	simm.s32 $0x0;
	s20 =	sshll.u32 s4, $0x1;
	s4 =	sadd.s32 s21, s2  }
0x9d: {  	[timem:s6], [sflag:s22] =	dma.local [hbm:s4], s20  }
0x9e: {  	_ =	swait.ge [sflag:s22], s20  }
0x9f: {  	s3 =	ssub.s32 $0x0, s20;
	[sflag:s22] =	ssyncset.done $0x0  }
0xa0: {  	[sflag:s22] =	ssyncadd.s32 s3;
	_ =	sdelay $0x1  }
0xa1: {  	s23 =	simm.s32 $0x1B8B  }
0xa2: {  	_ =	swait.ge [sflag:s23], $0x1  }
0xa3: {  	[sflag:s23] =	ssyncset.done $0x0  }
0xa4: {  	s25 =	simm.s32 $0x1B8E;
	s24 =	sld [smem:$0x3FFE];
	[sflag:s23] =	ssyncadd.s32 $0xFFFFFFFF  }
0xa5: {  	s26 =	simm.s32 $execute0_lowered;
	[smem:$0x3FD2] =	sst s25  }
0xa6: {  	s4 =	sshll.u32 s26, $0x1;
	_ =	strace $0x80000046;
	[dreg:$0x1] =	wrdreg $0xFFFFFFFF  }
0xa7: {  	s28 =	simm.s32 $_size_execute0_lowered;
	s2 =	sadd.s32 s2, s4;
	[dreg:$0x0] =	wrdreg $0x0  }
0xa8: {  	s4 =	sshll.u32 s28, $0x1;
	[dreg:$0x2] =	wrdreg s2  }
0xa9: {  	[dreg:$0x3] =	wrdreg s4  }
0xaa: {  	[dreg:$0x4] =	wrdreg $0xC0  }
0xab: {  	_ =	task [dreg:s6], $0x5FFFF  }
0xac: {  	[dreg:$0x1] =	wrdreg $0xFFFFFFFF  }
0xad: {  	[dreg:$0x0] =	wrdreg $0x60  }
0xae: {  	[dreg:$0x2] =	wrdreg s24  }
0xaf: {  	[dreg:$0x3] =	wrdreg $0xA2000  }
0xb0: {  	[dreg:$0x4] =	wrdreg $0x9  }
0xb1: {  	_ =	task.clear_ibuf [dreg:s6], $0x5FFFF;
	_ =	strace $0x90000046  }
0xb2: {  	s29 =	simm.s32 $0x9;
	_ =	strace $0x80000048  }
0xb3: {  	_ =	swait.ge [sflag:s29], $0x1  }
0xb4: {  	[sflag:s29] =	ssyncadd.s32 $0xFFFFFFFF  }
0xb5: {  	_ =	strace $0x90000048  }
0xb6: {  	_ =	sfence  }
0xb7: {  	s30 =	sld [smem:$0x0];
	_ =	sdelay $0x2  }
0xb8: {  	s31 =	sshll.u32 s1, $0xD;
	s1 =	sshrl.u32 s1, $0x2  }
0xb9: {  	s3 =	sand.u32 $0x4000, s31;
	s1 =	sadd.s32 s1, s30  }
0xba: {  	s0 =	sor.u32 s3, s0;
	s1 =	sshll.u32 s1, $0x11  }
0xbb: {  	s0 =	sor.u32 s1, s0  }
0xbc: {  	s0 =	sadd.s32 $0x8F2B, s0  }
0xbd: {  	[sflag:s0] =	ssyncadd.remote.s32 $0x1  }
0xbe: {  	_ =	sfence.sel $0xFFFF  }
0xbf: {  	[dreg:$0x0] =	wrdreg $0xFFFFFFFF;
	(pc) =	sbr.abs _section_cstart, $3  }
0xc0: {  	[dreg:$0x1] =	wrdreg $0xFFFFFFFF  }
0xc1: {  	_ =	task.clear_ibuf [dreg:s6], $0x2FFFF;
	_ =	strace $0x9FFFFFFF  }
0xc2: {  	(tm) =	ssettm $0x7FFFFFFF  }
0xc3: {  	_ =	shalt  }
tec
execute0_lowered:
.L_overlay_start_1:
0x0: {  	(tag) =	ssettag $0x1  }
0x1: {  	s5 =	rddreg [dreg:$0x0];
	s0 =	stileid.u32  }
0x2: {  	s1 =	srdreg.scid;
	s6 =	smul.u32 $0x5A0, s0  }
0x3: {  	s2 =	rddreg [dreg:$0x1];
	s7 =	smul.u32 $0x430, s0  }
0x4: {  	s3 =	simm.s32 $0x0;
	s16 =	simm.s32 $0x1;
	s11 =	smul.u32 $0x9000, s0  }
0x5: {  	s13 =	sand.u32 $0x1, s1;
	s1 =	rddreg [dreg:$0x2];
	s12 =	smul.u32 $0x24000, s0  }
0x6: {  	[smem:$0x7FF] =	sst s3;
	s4 =	sadd.s32 $0xC000, s5;
	s8 =	smul.u32 $0x90000, s13  }
0x7: {  	_ =	strace $0x80000047;
	s30 =	ssub.s32 $0x2, s13;
	p0 =	sne.s32 s13, $0x0  }
0x8: {  	s13 =	simm.s32 $0x5A00;
	s9 =	sadd.s32 s6, s5;
	s28 =	sadd.s32 s7, s5  }
0x9: {  	s10 =	sshrl.u32 s30, $0x1;
	s31 =	sshrl.u32 s12, $0x2;
	s17 =	sadd.s32 s11, s2  }
0xa: {  	s29 =	sadd.s32 s11, s8;
	s15 =	ssub.s32 s30, s10;
	s6 =	sadd.s32 $0x3C400, s28  }
0xb: {  	s8 =	sadd.s32 $0xC00, s9;
	s10 =	sadd.s32 s31, s2;
	s17 =	sshrl.u32 s17, $0x3  }
0xc: {  	s7 =	sshrl.u32 s29, $0x3;
	s11 =	smax.u32 s15, $0x1;
	s12 =	sadd.s32 $0x4800, s10  }
0xd: {  	s15 =	simm.s32 $0x80;
	s14 =	sadd.s32 s7, s5;
	s5 =	sadd.s32 $0x38000, s28  }
0xe: {  	v0 =	vimm.f32 $0.0e+00;
	s7 =	sadd.s32 $0x6600, s9;
	s9 =	sadd.s32 $0x40800, s14;
	s14 =	simm.s32 $0x2  }
.LBB2_1:
0xf: {  	s18 =	simm.s32 $0x80;
	s19 =	simm.s32 $0x440  }
.LBB2_2:
0x10: {  	p1 =	sne.s32 s19, $0x11FC0;
	[tilespmem:s18+$0x5A00] =	vst v0  }
0x11: {  	[tilespmem:s18+$0x5980] =	vst v0  }
0x12: {  	[tilespmem:s18+$0x5990] =	vst v0  }
0x13: {  	[tilespmem:s18+$0x59A0] =	vst v0  }
.Ltmp0:
0x14: {  	[tilespmem:s18+$0x59B0] =	vst v0;
	(pc) =	sbr.rel @p1 .LBB2_2-.Ltmp0, $4  }
0x15: {  	[tilespmem:s18+$0x59C0] =	vst v0  }
0x16: {  	[tilespmem:s18+$0x59D0] =	vst v0  }
0x17: {  	[tilespmem:s18+$0x59E0] =	vst v0  }
0x18: {  	[tilespmem:s18+$0x59F0] =	vst v0;
	s18 =	sshra.s32 s19, $0x2;
	s19 =	sadd.s32 $0x240, s19  }
0x19: {  	[tilespmem:s18+$0x5A00] =	vst v0  }
0x1a: {  	[tilespmem:s18+$0x5980] =	vst v0  }
0x1b: {  	[tilespmem:s18+$0x5990] =	vst v0  }
0x1c: {  	[tilespmem:s18+$0x59A0] =	vst v0  }
0x1d: {  	[tilespmem:s18+$0x59B0] =	vst v0  }
0x1e: {  	[tilespmem:s18+$0x59C0] =	vst v0  }
0x1f: {  	[tilespmem:s18+$0x59D0] =	vst v0  }
0x20: {  	[tilespmem:s18+$0x59E0] =	vst v0  }
0x21: {  	[tilespmem:s18+$0x59F0] =	vst v0  }
0x22: {  	[spmem:s10] =	stream.linear.scatter [tilespmem:s13], [sflag:$0x2], $0x4800, $0x38;
	[tilespmem:$0x13200] =	vst v63  }
0x23: {  	_ =	swait.ge [sflag:s14], $0x4800  }
0x24: {  	[sflag:s14] =	ssyncset.done $0x0  }
0x25: {  	[sflag:s14] =	ssyncadd.s32 $0xFFFFB800  }
0x26: {  	[spmem:s12] =	stream.linear.scatter [tilespmem:s13], [sflag:$0x2], $0x4800, $0x38;
	[tilespmem:$0x13200] =	vst v63  }
0x27: {  	_ =	swait.ge [sflag:s14], $0x4800  }
0x28: {  	[sflag:s14] =	ssyncset.done $0x0  }
0x29: {  	[sflag:s14] =	ssyncadd.s32 $0xFFFFB800  }
0x2a: {  	s18 =	simm.s32 @p0 $0x0;
	s19 =	simm.s32 @p0 $0x2;
	[bflag:$0x0] =	sbarrier.arrive $0xFFFF  }
0x2b: {  	[tilespmem:s18], [sflag:$0x2] =	stream.linear.gather @p0 [hbm4b:s5+s18], $0x2180, $0x38;
	[tilespmem:$0x13200] =	vst v63  }
0x2c: {  	_ =	swait.ge @p0 [sflag:s19], $0x2180  }
0x2d: {  	[sflag:s19] =	ssyncset.done @p0 $0x0  }
0x2e: {  	s20 =	simm.s32 @p0 $0x2D00;
	[sflag:s19] =	ssyncadd.s32 @p0 $0xFFFFDE80  }
0x2f: {  	[tilespmem:s20], [sflag:$0x2] =	stream.linear.gather @p0 [hbm4b:s6+s18], $0x2180, $0x38;
	[tilespmem:$0x13200] =	vst v63  }
0x30: {  	_ =	swait.ge @p0 [sflag:s19], $0x2180  }
0x31: {  	[sflag:s19] =	ssyncset.done @p0 $0x0  }
0x32: {  	s18 =	simm.s32 @!p0 $0x0;
	[sflag:s19] =	ssyncadd.s32 @p0 $0xFFFFDE80;
	s19 =	simm.s32 @!p0 $0x2  }
0x33: {  	[tilespmem:s18], [sflag:$0x2] =	stream.linear.gather @!p0 [hbm4b:s7+s18], $0x2D00, $0x38;
	[tilespmem:$0x13200] =	vst v63  }
0x34: {  	_ =	swait.ge @!p0 [sflag:s19], $0x2D00  }
0x35: {  	[sflag:s19] =	ssyncset.done @!p0 $0x0  }
0x36: {  	s20 =	simm.s32 @!p0 $0x2D00;
	[sflag:s19] =	ssyncadd.s32 @!p0 $0xFFFFD300  }
0x37: {  	[tilespmem:s20], [sflag:$0x2] =	stream.linear.gather @!p0 [hbm4b:s8+s18], $0x2D00, $0x38;
	[tilespmem:$0x13200] =	vst v63  }
0x38: {  	_ =	swait.ge @!p0 [sflag:s19], $0x2D00  }
0x39: {  	s20 =	simm.s32 @!p0 $0x5A;
	[sflag:s19] =	ssyncset.done @!p0 $0x0  }
0x3a: {  	s18 =	simm.s32 $0x0;
	s20 =	simm.s32 @p0 $0x43;
	[sflag:s19] =	ssyncadd.s32 @!p0 $0xFFFFD300  }
0x3b: {  	[tilespmem:s13], [sflag:$0x1] =	stream.indirect.gather [hbm4b:s4+s15], $0x90, s18, s15, $0xb8;
	[tilespmem:$0x13200] =	vst v63  }
0x3c: {  	p1 =	sne.s32 s20, $0x1;
	_ =	swait.ge [sflag:s16], $0x4800  }
.Ltmp1:
0x3d: {  	[sflag:s16] =	ssyncset.done $0x0;
	(pc) =	sbr.rel @!p1 .LBB2_5-.Ltmp1, $4  }
0x3e: {  	s19 =	simm.s32 $0x2D00;
	[sflag:s16] =	ssyncadd.s32 $0xFFFFB800  }
0x3f: {  	[spmem:s2] =	stream.indirect.scatter.add.f32 [tilespmem:s13], [sflag:$0x2], $0x90, s19, s15, $0xb8;
	[tilespmem:$0x13200] =	vst v63  }
0x40: {  	_ =	swait.ge [sflag:s14], $0x4800  }
0x41: {  	s20 =	sadd.s32 $0xFFFFFFFF, s20;
	[sflag:s14] =	ssyncset.done $0x0  }
.LBB2_4:
0x42: {  	[sflag:s14] =	ssyncadd.s32 $0xFFFFB800;
	s18 =	sadd.s32 $0x80, s18;
	s19 =	sadd.s32 $0x80, s19  }
0x43: {  	[tilespmem:s13], [sflag:$0x1] =	stream.indirect.gather [hbm4b:s4+s15], $0x90, s18, s15, $0xb8;
	[tilespmem:$0x13200] =	vst v63  }
0x44: {  	p1 =	sne.s32 s20, $0x1;
	s20 =	sadd.s32 $0xFFFFFFFF, s20;
	_ =	swait.ge [sflag:s16], $0x4800  }
.Ltmp2:
0x45: {  	[sflag:s16] =	ssyncset.done $0x0;
	(pc) =	sbr.rel @p1 .LBB2_4-.Ltmp2, $4  }
0x46: {  	[sflag:s16] =	ssyncadd.s32 $0xFFFFB800  }
0x47: {  	[spmem:s2] =	stream.indirect.scatter.add.f32 [tilespmem:s13], [sflag:$0x2], $0x90, s19, s15, $0xb8;
	[tilespmem:$0x13200] =	vst v63  }
0x48: {  	_ =	swait.ge [sflag:s14], $0x4800  }
0x49: {  	[sflag:s14] =	ssyncset.done $0x0  }
.LBB2_5:
0x4a: {  	s3 =	sadd.s32 $0x1, s3  }
0x4b: {  	[sflag:s14] =	ssyncadd.s32 $0xFFFFB800;
	s18 =	sshll.u32 s0, $0x6;
	p1 =	sne.s32 s3, s11  }
.Ltmp3:
0x4c: {  	[bflag:$0x0] =	sbarrier.arrive $0xFFFF;
	s18 =	sor.u32 $0x1C02, s18;
	(pc) =	sbr.rel @p1 .LBB2_1-.Ltmp3, $4  }
0x4d: {  	[hbm:s9], [sflag:s18] =	dma.local [spmem:s17], $0x1200  }
0x4e: {  	_ =	swait.ge [sflag:s14], $0x1200  }
0x4f: {  	[sflag:s14] =	ssyncset.done $0x0  }
0x50: {  	[sflag:s14] =	ssyncadd.s32 $0xFFFFEE00  }
0x51: {  	_ =	sfence.sel $0x180000  }
0x52: {  	[bflag:$0x0] =	sbarrier.arrive $0xFFFF  }
0x53: {  	p0 =	sne.s32 s0, $0x0;
	_ =	strace $0x90000047  }
0x54: {  	s0 =	sadd.s32 @!p0 $0x100000, s1;
	[bflag:$0x2] =	sbarrier.arrive $0xFFFF  }
0x55: {  	[sflag:s0] =	ssyncadd.tile.s32 @!p0 $0x1;
	_ =	shalt  }
.Lfunc_end2:
_tile_overlayer_lowered:
.L_overlay_start_2:
0x56: {  	(tag) =	ssettag $0x2  }
0x57: {  	s0 =	rddreg [dreg:$0x0];
	s2 =	stileid.u32  }
0x58: {  	s1 =	rddreg [dreg:$0x1];
	p0 =	sne.s32 s2, $0x0  }
0x59: {  	s3 =	rddreg [dreg:$0x2];
	[bflag:$0x3] =	sbarrier.arrive $0xFFFF;
	s2 =	simm.s32 @!p0 $0x1C02  }
0x5a: {  	[timem:s3], [sflag:s2] =	dma.local @!p0 [hbm:s0], s1  }
0x5b: {  	s0 =	simm.s32 @!p0 $0x2  }
0x5c: {  	_ =	swait.ge @!p0 [sflag:s0], s1  }
0x5d: {  	s1 =	ssub.s32 @!p0 $0x0, s1;
	[sflag:s0] =	ssyncset.done @!p0 $0x0  }
0x5e: {  	[sflag:s0] =	ssyncadd.s32 @!p0 s1  }
0x5f: {  	[bflag:$0x3] =	sbarrier.arrive $0xFFFF  }
0x60: {  	_ =	shalt  }

// kernel: kernel.8.cloned.1.call-start
scs
__scs_entry_jumppad:
0x0: {  	(pc) =	sbr.rel $0x88, $3  }
0x1: {  	(tag) =	ssettag $0x0;
	lr =	simm.s32 $0x1  }
0x2: {  	[smem:$0x3F98] =	sst lr;
	_ =	strace $0xD0000000  }
0x3: {  	_ = 	snop  }
0x4: {  	_ = 	snop  }
0x5: {  	_ = 	snop  }
0x6: {  	_ = 	snop  }
0x7: {  	_ = 	snop  }
__scs_overlays_trampoline_lowered:
0x8: {  	[smem:$0x3FA7] =	sst s0  }
0x9: {  	[smem:$0x3FA8] =	sst s1  }
0xa: {  	[smem:$0x3FA9] =	sst s2  }
0xb: {  	[smem:$0x3FAA] =	sst s3  }
0xc: {  	[smem:$0x3FAB] =	sst s4  }
0xd: {  	[smem:$0x3FAC] =	sst s5  }
0xe: {  	[smem:$0x3FAD] =	sst s6  }
0xf: {  	[smem:$0x3FAE] =	sst s7  }
0x10: {  	[smem:$0x3FAF] =	sst s8  }
0x11: {  	[smem:$0x3FB0] =	sst s9;
	s0 =	simm.s32 @!p0 $0x0  }
0x12: {  	s1 =	sld [smem:$0x3F96];
	s0 =	simm.s32 @p0 $0x1  }
0x13: {  	[smem:$0x3FB1] =	sst s0;
	s0 =	simm.s32 @!p1 $0x0  }
0x14: {  	s2 =	sld [smem:$0x3F95];
	s0 =	simm.s32 @p1 $0x1  }
0x15: {  	[smem:$0x3FB2] =	sst s0;
	s0 =	simm.s32 @!p2 $0x0  }
0x16: {  	s3 =	sld [smem:$0x3FDB];
	s0 =	simm.s32 @p2 $0x1  }
0x17: {  	s4 =	simm.s32 $0x1BF5;
	[smem:$0x3FB4] =	sst s0  }
0x18: {  	s0 =	sld [smem:$0x3F97];
	_ =	swait.ge [sflag:s4], $0x0  }
0x19: {  	s7 =	sld [smem:$0x3F98]  }
0x1a: {  	s8 =	sadd.s32 $0xFFFFE003, lr  }
0x1b: {  	s9 =	sadd.s32 $0xFFFFFEF7, lr;
	s5 =	simm.s32 $0xFFFFFFFF;
	p2 =	slt.u32 s8, $0xFFFFF086  }
0x1c: {  	p1 =	slt.u32 s9, $0xF7A;
	s5 =	simm.s32 @!p2 $0x0  }
0x1d: {  	s5 =	simm.s32 @p1 $0x1;
	p0 =	seq.s32 s7, s2  }
0x1e: {  	s7 =	smul.u32 @!p0 $0xF7A, s2;
	p2 =	seq.s32 @!p0 s5, $0x0  }
0x1f: {  	s9 =	smul.u32 $0xF7A, s1;
	s8 =	simm.s32 @!p0 $0x1BF5;
	p2 =	por !p2, p0  }
0x20: {  	[sflag:s8] =	ssyncset.s32 @!p0 $0xFFFFF086;
	s6 =	sadd.s32 @!p0 s3, s7;
	s7 =	simm.s32 @!p0 $0x108  }
0x21: {  	s3 =	sadd.s32 s3, s9;
	s6 =	sadd.s32 @!p0 $0x88, s6;
	s7 =	simm.s32 @p2 $0x1082  }
0x22: {  	[simem:s7], [sflag:s8] =	dma.local @!p0 [hbm:s6], $0xF7A  }
0x23: {  	s9 =	sor.u32 $0xD0000000, s2;
	s6 =	simm.s32 $0x108;
	_ =	swait.ge @!p0 [sflag:s8], $0x0  }
0x24: {  	s3 =	sadd.s32 $0x88, s3;
	s6 =	simm.s32 @!p1 $0x1082;
	[sflag:s4] =	ssyncset.s32 $0xFFFFF086  }
0x25: {  	[simem:s6], [sflag:s4] =	dma.local [hbm:s3], $0xF7A  }
0x26: {  	[smem:$0x3F98] =	sst s1;
	(tag) =	ssettag s2;
	_ =	strace s9  }
0x27: {  	s1 =	sld [smem:$0x3FA8]  }
0x28: {  	s2 =	sld [smem:$0x3FA9]  }
0x29: {  	s4 =	sld [smem:$0x3FAB]  }
0x2a: {  	p0 =	seq.s32 s5, $0x0;
	s5 =	sld [smem:$0x3FAC]  }
0x2b: {  	s6 =	sld [smem:$0x3FAD]  }
0x2c: {  	s7 =	sld [smem:$0x3FAE]  }
0x2d: {  	s3 =	simm.s32 $0x108;
	s8 =	sld [smem:$0x3FAF]  }
0x2e: {  	s3 =	simm.s32 @!p0 $0x1082;
	s9 =	sld [smem:$0x3FB0]  }
0x2f: {  	lr =	sadd.s32 s0, s3;
	s0 =	sld [smem:$0x3FA7]  }
0x30: {  	s3 =	sld [smem:$0x3FAA]  }
0x31: {  	[smem:$0x3FB3] =	sst s10  }
0x32: {  	s10 =	sld [smem:$0x3FB1];
	_ =	sdelay $0x3  }
0x33: {  	p0 =	seq.s32 s10, $0x1;
	s10 =	sld [smem:$0x3FB3];
	_ =	sdelay $0x3  }
0x34: {  	[smem:$0x3FB3] =	sst s10  }
0x35: {  	s10 =	sld [smem:$0x3FB2];
	_ =	sdelay $0x3  }
0x36: {  	p1 =	seq.s32 s10, $0x1;
	s10 =	sld [smem:$0x3FB3];
	_ =	sdelay $0x3  }
0x37: {  	[smem:$0x3FB3] =	sst s10  }
0x38: {  	s10 =	sld [smem:$0x3FB4]  }
0x39: {  	_ = 	snop;
	(pc) =	sbr.ind lr, $3  }
0x3a: {  	_ = 	snop  }
0x3b: {  	_ = 	snop  }
0x3c: {  	p2 =	seq.s32 s10, $0x1;
	s10 =	sld [smem:$0x3FB3]  }
0x3d: {  	_ =	shalt  }
0x3e: {  	_ =	shalt  }
0x3f: {  	_ =	shalt  }
0x40: {  	_ =	shalt  }
0x41: {  	_ =	shalt  }
0x42: {  	_ =	shalt  }
0x43: {  	_ =	shalt  }
0x44: {  	_ =	shalt  }
0x45: {  	_ =	shalt  }
0x46: {  	_ =	shalt  }
0x47: {  	_ =	shalt  }
0x48: {  	_ =	shalt  }
0x49: {  	_ =	shalt  }
0x4a: {  	_ =	shalt  }
0x4b: {  	_ =	shalt  }
0x4c: {  	_ =	shalt  }
0x4d: {  	_ =	shalt  }
0x4e: {  	_ =	shalt  }
0x4f: {  	_ =	shalt  }
0x50: {  	_ =	shalt  }
0x51: {  	_ =	shalt  }
0x52: {  	_ =	shalt  }
0x53: {  	_ =	shalt  }
0x54: {  	_ =	shalt  }
0x55: {  	_ =	shalt  }
0x56: {  	_ =	shalt  }
0x57: {  	_ =	shalt  }
0x58: {  	_ =	shalt  }
0x59: {  	_ =	shalt  }
0x5a: {  	_ =	shalt  }
0x5b: {  	_ =	shalt  }
0x5c: {  	_ =	shalt  }
0x5d: {  	_ =	shalt  }
0x5e: {  	_ =	shalt  }
0x5f: {  	_ =	shalt  }
0x60: {  	_ =	shalt  }
0x61: {  	_ =	shalt  }
0x62: {  	_ =	shalt  }
0x63: {  	_ =	shalt  }
0x64: {  	_ =	shalt  }
0x65: {  	_ =	shalt  }
0x66: {  	_ =	shalt  }
0x67: {  	_ =	shalt  }
0x68: {  	_ =	shalt  }
0x69: {  	_ =	shalt  }
0x6a: {  	_ =	shalt  }
0x6b: {  	_ =	shalt  }
0x6c: {  	_ =	shalt  }
0x6d: {  	_ =	shalt  }
0x6e: {  	_ =	shalt  }
0x6f: {  	_ =	shalt  }
0x70: {  	_ =	shalt  }
0x71: {  	_ =	shalt  }
0x72: {  	_ =	shalt  }
0x73: {  	_ =	shalt  }
0x74: {  	_ =	shalt  }
0x75: {  	_ =	shalt  }
0x76: {  	_ =	shalt  }
0x77: {  	_ =	shalt  }
0x78: {  	_ =	shalt  }
0x79: {  	_ =	shalt  }
0x7a: {  	_ =	shalt  }
0x7b: {  	_ =	shalt  }
0x7c: {  	_ =	shalt  }
0x7d: {  	_ =	shalt  }
0x7e: {  	_ =	shalt  }
0x7f: {  	_ =	shalt  }
0x80: {  	_ =	shalt  }
0x81: {  	_ =	shalt  }
0x82: {  	_ =	shalt  }
0x83: {  	_ =	shalt  }
0x84: {  	_ =	shalt  }
0x85: {  	_ =	shalt  }
0x86: {  	_ =	shalt  }
0x87: {  	_ =	shalt  }
.Lfunc_end0:
.L_simem_size_0:
called_computation.1_lowered:
.L_overlay_start_0:
0x88: {  	s2 =	sld [smem:$0x3FD9]  }
0x89: {  	s3 =	sld [smem:$0x3FFE];
	_ =	sdelay $0x1  }
0x8a: {  	s1 =	srdreg.scid  }
0x8b: {  	s0 =	sand.u32 $0x1, s1  }
0x8c: {  	s17 =	sshll.u32 s0, $0xA;
	s2 =	sadd.s32 s3, s2  }
0x8d: {  	s2 =	sadd.s32 s2, s17  }
0x8e: {  	[smem:$0x3FBF] =	sst s2  }
0x8f: {  	_ = 	snop  }
0x90: {  	s2 =	sld [smem:$0x3FC1]  }
0x91: {  	s18 =	sld [smem:$0x3FD0];
	(tm) =	ssettm $0x1  }
0x92: {  	s4 =	sld [smem:$0x3FFB];
	_ =	sdelay $0x3  }
0x93: {  	_ =	strace s4  }
0x94: {  	s4 =	sld [smem:$0x3FFC];
	_ =	sdelay $0x3  }
0x95: {  	_ =	strace s4  }
0x96: {  	s4 =	sld [smem:$0x3FFD];
	_ =	sdelay $0x3  }
0x97: {  	_ =	strace s4  }
0x98: {  	_ =	strace $0x8FFFFFFF  }
0x99: {  	s19 =	sld [smem:$0x3FDB];
	_ =	sdelay $0x1  }
0x9a: {  	s5 =	simm.s32 $_scs_section_size  }
0x9b: {  	s6 =	simm.s32 $_size__tile_overlayer_lowered;
	s7 =	simm.s32 $_tile_overlayer_lowered  }
0x9c: {  	s22 =	simm.s32 $0x1BFF;
	s21 =	sshll.u32 s7, $0x1;
	s4 =	sadd.s32 s5, s19  }
0x9d: {  	s8 =	simm.s32 $0x0;
	s20 =	sshll.u32 s6, $0x1;
	s6 =	sadd.s32 s21, s4  }
0x9e: {  	[timem:s8], [sflag:s22] =	dma.local [hbm:s6], s20  }
0x9f: {  	_ =	swait.ge [sflag:s22], s20  }
0xa0: {  	s5 =	ssub.s32 $0x0, s20;
	[sflag:s22] =	ssyncset.done $0x0  }
0xa1: {  	[sflag:s22] =	ssyncadd.s32 s5;
	_ =	sdelay $0x1  }
0xa2: {  	s23 =	simm.s32 $0x1B8B  }
0xa3: {  	_ =	swait.ge [sflag:s23], $0x1  }
0xa4: {  	[sflag:s23] =	ssyncset.done $0x0  }
0xa5: {  	s25 =	simm.s32 $0x1B8E;
	s24 =	sld [smem:$0x3FFE];
	[sflag:s23] =	ssyncadd.s32 $0xFFFFFFFF  }
0xa6: {  	s26 =	simm.s32 $execute0_lowered;
	[smem:$0x3FD2] =	sst s25  }
0xa7: {  	s6 =	sshll.u32 s26, $0x1;
	_ =	strace $0x80000049;
	[dreg:$0x1] =	wrdreg $0xFFFFFFFF  }
0xa8: {  	s28 =	simm.s32 $_size_execute0_lowered;
	s4 =	sadd.s32 s4, s6;
	[dreg:$0x0] =	wrdreg $0x0  }
0xa9: {  	s6 =	sshll.u32 s28, $0x1;
	[dreg:$0x2] =	wrdreg s4  }
0xaa: {  	[dreg:$0x3] =	wrdreg s6  }
0xab: {  	[dreg:$0x4] =	wrdreg $0xC0  }
0xac: {  	_ =	task [dreg:s8], $0x5FFFF  }
0xad: {  	[dreg:$0x1] =	wrdreg $0xFFFFFFFF  }
0xae: {  	[dreg:$0x0] =	wrdreg $0x60  }
0xaf: {  	[dreg:$0x2] =	wrdreg s24  }
0xb0: {  	[dreg:$0x3] =	wrdreg s18  }
0xb1: {  	[dreg:$0x4] =	wrdreg s2  }
0xb2: {  	[dreg:$0x5] =	wrdreg $0xF4400  }
0xb3: {  	[dreg:$0x6] =	wrdreg $0x9  }
0xb4: {  	_ =	task.clear_ibuf [dreg:s8], $0x7FFFF;
	_ =	strace $0x90000049  }
0xb5: {  	s29 =	simm.s32 $0x9;
	_ =	strace $0x8000004B  }
0xb6: {  	_ =	swait.ge [sflag:s29], $0x1  }
0xb7: {  	[sflag:s29] =	ssyncadd.s32 $0xFFFFFFFF  }
0xb8: {  	_ =	strace $0x9000004B  }
0xb9: {  	_ =	sfence  }
0xba: {  	s30 =	sld [smem:$0x0];
	_ =	sdelay $0x2  }
0xbb: {  	s31 =	sshll.u32 s1, $0xD;
	s1 =	sshrl.u32 s1, $0x2  }
0xbc: {  	s3 =	sand.u32 $0x4000, s31;
	s1 =	sadd.s32 s1, s30  }
0xbd: {  	s0 =	sor.u32 s3, s0;
	s1 =	sshll.u32 s1, $0x11  }
0xbe: {  	s0 =	sor.u32 s1, s0  }
0xbf: {  	s0 =	sadd.s32 $0x8F2B, s0  }
0xc0: {  	[sflag:s0] =	ssyncadd.remote.s32 $0x1  }
0xc1: {  	_ =	sfence.sel $0xFFFF  }
0xc2: {  	[dreg:$0x0] =	wrdreg $0xFFFFFFFF;
	(pc) =	sbr.abs _section_cstart, $3  }
0xc3: {  	[dreg:$0x1] =	wrdreg $0xFFFFFFFF  }
0xc4: {  	_ =	task.clear_ibuf [dreg:s8], $0x2FFFF;
	_ =	strace $0x9FFFFFFF  }
0xc5: {  	(tm) =	ssettm $0x7FFFFFFF  }
tec
execute0_lowered:
.L_overlay_start_1:
0x0: {  	(tag) =	ssettag $0x1  }
0x1: {  	s1 =	srdreg.scid  }
0x2: {  	s1 =	sand.u32 $0x1, s1  }
0x3: {  	s3 =	rddreg [dreg:$0x0];
	p0 =	seq.s32 s1, $0x1  }
.Ltmp0:
0x4: {  	s2 =	rddreg [dreg:$0x1];
	(pc) =	sbr.rel @p0 .LBB2_6-.Ltmp0, $4  }
0x5: {  	s4 =	rddreg [dreg:$0x2]  }
0x6: {  	s5 =	rddreg [dreg:$0x3];
	s6 =	simm.s32 $0x0  }
0x7: {  	[smem:$0x7FF] =	sst s6  }
0x8: {  	s0 =	rddreg [dreg:$0x4];
	_ =	strace $0x8000004A;
	s1 =	stileid.u32  }
0x9: {  	s6 =	smul.u32 $0x5000, s1;
	s9 =	sshll.u32 s1, $0x9;
	s8 =	sadd.s32 $0xC00, s3  }
0xa: {  	s31 =	sadd.s32 s9, s3;
	s12 =	sadd.s32 s2, s9;
	s9 =	simm.s32 $0x240  }
0xb: {  	s3 =	simm.s32 $0x40;
	s6 =	sshrl.u32 s6, $0x2;
	s11 =	sadd.s32 $0x64800, s31  }
0xc: {  	v0 =	vimm.f32 $0.0e+00;
	s2 =	sadd.s32 $0x12800, s31;
	s7 =	sadd.s32 s6, s5;
	s6 =	sadd.s32 $0xAA00, s31  }
.LBB2_2:
0xd: {  	p0 =	sne.s32 s9, $0x4FC0;
	[tilespmem:s3+$0x2000] =	vst v0;
	s10 =	smov.u32 s9;
	s9 =	sadd.s32 $0x140, s9  }
.Ltmp1:
0xe: {  	[tilespmem:s3+$0x1FF0] =	vst v0;
	(pc) =	sbr.rel @p0 .LBB2_2-.Ltmp1, $4  }
0xf: {  	[tilespmem:s3+$0x1FE0] =	vst v0  }
0x10: {  	[tilespmem:s3+$0x1FC0] =	vst v0  }
0x11: {  	[tilespmem:s3+$0x1FD0] =	vst v0  }
0x12: {  	s3 =	sshra.s32 s10, $0x2  }
0x13: {  	[tilespmem:s3+$0x2000] =	vst v0  }
0x14: {  	[tilespmem:s3+$0x1FF0] =	vst v0  }
0x15: {  	[tilespmem:s3+$0x1FE0] =	vst v0  }
0x16: {  	[tilespmem:s3+$0x1FC0] =	vst v0  }
0x17: {  	[tilespmem:s3+$0x1FD0] =	vst v0;
	s10 =	simm.s32 $0x2000;
	s9 =	simm.s32 $0x2  }
0x18: {  	[spmem:s7] =	stream.linear.scatter [tilespmem:s10], [sflag:$0x2], $0x1400, $0x38;
	[tilespmem:$0x10840] =	vst v63  }
0x19: {  	_ =	swait.ge [sflag:s9], $0x1400  }
0x1a: {  	[sflag:s9] =	ssyncset.done $0x0  }
0x1b: {  	[sflag:s9] =	ssyncadd.s32 $0xFFFFEC00  }
0x1c: {  	s3 =	simm.s32 $0x0;
	[bflag:$0x0] =	sbarrier.arrive $0xFFFF  }
0x1d: {  	[tilespmem:s3], [sflag:$0x2] =	stream.linear.gather [hbm4b:s12+s3], $0x1000, $0x38;
	[tilespmem:$0x10840] =	vst v63  }
0x1e: {  	_ =	swait.ge [sflag:s9], $0x1000  }
0x1f: {  	[sflag:s9] =	ssyncset.done $0x0  }
0x20: {  	s13 =	simm.s32 $0x1000;
	[sflag:s9] =	ssyncadd.s32 $0xFFFFF000  }
0x21: {  	[tilespmem:s13], [sflag:$0x2] =	stream.linear.gather [hbm4b:s11+s3], $0x1000, $0x38;
	[tilespmem:$0x10840] =	vst v63  }
0x22: {  	_ =	swait.ge [sflag:s9], $0x1000  }
0x23: {  	[sflag:s9] =	ssyncset.done $0x0  }
0x24: {  	s31 =	simm.s32 $0x200;
	s14 =	simm.s32 $0x1;
	[sflag:s9] =	ssyncadd.s32 $0xFFFFF000  }
0x25: {  	[tilespmem:s10], [sflag:$0x1] =	stream.indirect.gather [hbm4b:s8+s31], $0x50, s3, s31, $0xb8;
	[tilespmem:$0x10840] =	vst v63  }
0x26: {  	_ =	swait.ge [sflag:s14], $0xA000  }
0x27: {  	[sflag:s14] =	ssyncset.done $0x0  }
0x28: {  	[sflag:s14] =	ssyncadd.s32 $0xFFFF6000  }
0x29: {  	[spmem:s5] =	stream.indirect.scatter.add.f32 [tilespmem:s10], [sflag:$0x2], $0x50, s13, s31, $0xb8;
	[tilespmem:$0x10840] =	vst v63  }
0x2a: {  	_ =	swait.ge [sflag:s9], $0xA000  }
0x2b: {  	[sflag:s9] =	ssyncset.done $0x0  }
0x2c: {  	[sflag:s9] =	ssyncadd.s32 $0xFFFF6000  }
0x2d: {  	[tilespmem:s10], [sflag:$0x1] =	stream.indirect.gather [hbm4b:s8+s31], $0x50, s31, s31, $0xb8;
	[tilespmem:$0x10840] =	vst v63  }
0x2e: {  	_ =	swait.ge [sflag:s14], $0xA000  }
0x2f: {  	[sflag:s14] =	ssyncset.done $0x0  }
0x30: {  	s15 =	simm.s32 $0x1200;
	[sflag:s14] =	ssyncadd.s32 $0xFFFF6000  }
0x31: {  	[spmem:s5] =	stream.indirect.scatter.add.f32 [tilespmem:s10], [sflag:$0x2], $0x50, s15, s31, $0xb8;
	[tilespmem:$0x10840] =	vst v63  }
0x32: {  	_ =	swait.ge [sflag:s9], $0xA000  }
0x33: {  	[sflag:s9] =	ssyncset.done $0x0  }
0x34: {  	s16 =	simm.s32 $0x400;
	[sflag:s9] =	ssyncadd.s32 $0xFFFF6000  }
0x35: {  	[tilespmem:s10], [sflag:$0x1] =	stream.indirect.gather [hbm4b:s8+s31], $0x50, s16, s31, $0xb8;
	[tilespmem:$0x10840] =	vst v63  }
0x36: {  	_ =	swait.ge [sflag:s14], $0xA000  }
0x37: {  	[sflag:s14] =	ssyncset.done $0x0  }
0x38: {  	s17 =	simm.s32 $0x1400;
	[sflag:s14] =	ssyncadd.s32 $0xFFFF6000  }
0x39: {  	[spmem:s5] =	stream.indirect.scatter.add.f32 [tilespmem:s10], [sflag:$0x2], $0x50, s17, s31, $0xb8;
	[tilespmem:$0x10840] =	vst v63  }
0x3a: {  	_ =	swait.ge [sflag:s9], $0xA000  }
0x3b: {  	[sflag:s9] =	ssyncset.done $0x0  }
0x3c: {  	s18 =	simm.s32 $0x600;
	[sflag:s9] =	ssyncadd.s32 $0xFFFF6000  }
0x3d: {  	[tilespmem:s10], [sflag:$0x1] =	stream.indirect.gather [hbm4b:s8+s31], $0x50, s18, s31, $0xb8;
	[tilespmem:$0x10840] =	vst v63  }
0x3e: {  	_ =	swait.ge [sflag:s14], $0xA000  }
0x3f: {  	[sflag:s14] =	ssyncset.done $0x0  }
0x40: {  	s19 =	simm.s32 $0x1600;
	[sflag:s14] =	ssyncadd.s32 $0xFFFF6000  }
0x41: {  	[spmem:s5] =	stream.indirect.scatter.add.f32 [tilespmem:s10], [sflag:$0x2], $0x50, s19, s31, $0xb8;
	[tilespmem:$0x10840] =	vst v63  }
0x42: {  	_ =	swait.ge [sflag:s9], $0xA000  }
0x43: {  	[sflag:s9] =	ssyncset.done $0x0  }
0x44: {  	s20 =	simm.s32 $0x800;
	[sflag:s9] =	ssyncadd.s32 $0xFFFF6000  }
0x45: {  	[tilespmem:s10], [sflag:$0x1] =	stream.indirect.gather [hbm4b:s8+s31], $0x50, s20, s31, $0xb8;
	[tilespmem:$0x10840] =	vst v63  }
0x46: {  	_ =	swait.ge [sflag:s14], $0xA000  }
0x47: {  	[sflag:s14] =	ssyncset.done $0x0  }
0x48: {  	s21 =	simm.s32 $0x1800;
	[sflag:s14] =	ssyncadd.s32 $0xFFFF6000  }
0x49: {  	[spmem:s5] =	stream.indirect.scatter.add.f32 [tilespmem:s10], [sflag:$0x2], $0x50, s21, s31, $0xb8;
	[tilespmem:$0x10840] =	vst v63  }
0x4a: {  	_ =	swait.ge [sflag:s9], $0xA000  }
0x4b: {  	[sflag:s9] =	ssyncset.done $0x0  }
0x4c: {  	s22 =	simm.s32 $0xA00;
	[sflag:s9] =	ssyncadd.s32 $0xFFFF6000  }
0x4d: {  	[tilespmem:s10], [sflag:$0x1] =	stream.indirect.gather [hbm4b:s8+s31], $0x50, s22, s31, $0xb8;
	[tilespmem:$0x10840] =	vst v63  }
0x4e: {  	_ =	swait.ge [sflag:s14], $0xA000  }
0x4f: {  	[sflag:s14] =	ssyncset.done $0x0  }
0x50: {  	s23 =	simm.s32 $0x1A00;
	[sflag:s14] =	ssyncadd.s32 $0xFFFF6000  }
0x51: {  	[spmem:s5] =	stream.indirect.scatter.add.f32 [tilespmem:s10], [sflag:$0x2], $0x50, s23, s31, $0xb8;
	[tilespmem:$0x10840] =	vst v63  }
0x52: {  	_ =	swait.ge [sflag:s9], $0xA000  }
0x53: {  	[sflag:s9] =	ssyncset.done $0x0  }
0x54: {  	s24 =	simm.s32 $0xC00;
	[sflag:s9] =	ssyncadd.s32 $0xFFFF6000  }
0x55: {  	[tilespmem:s10], [sflag:$0x1] =	stream.indirect.gather [hbm4b:s8+s31], $0x50, s24, s31, $0xb8;
	[tilespmem:$0x10840] =	vst v63  }
0x56: {  	_ =	swait.ge [sflag:s14], $0xA000  }
0x57: {  	[sflag:s14] =	ssyncset.done $0x0  }
0x58: {  	s25 =	simm.s32 $0x1C00;
	[sflag:s14] =	ssyncadd.s32 $0xFFFF6000  }
0x59: {  	[spmem:s5] =	stream.indirect.scatter.add.f32 [tilespmem:s10], [sflag:$0x2], $0x50, s25, s31, $0xb8;
	[tilespmem:$0x10840] =	vst v63  }
0x5a: {  	_ =	swait.ge [sflag:s9], $0xA000  }
0x5b: {  	[sflag:s9] =	ssyncset.done $0x0  }
0x5c: {  	s26 =	simm.s32 $0xE00;
	[sflag:s9] =	ssyncadd.s32 $0xFFFF6000  }
0x5d: {  	[tilespmem:s10], [sflag:$0x1] =	stream.indirect.gather [hbm4b:s8+s31], $0x50, s26, s31, $0xb8;
	[tilespmem:$0x10840] =	vst v63  }
0x5e: {  	_ =	swait.ge [sflag:s14], $0xA000  }
0x5f: {  	[sflag:s14] =	ssyncset.done $0x0  }
0x60: {  	s28 =	simm.s32 $0x1E00;
	[sflag:s14] =	ssyncadd.s32 $0xFFFF6000  }
0x61: {  	[spmem:s5] =	stream.indirect.scatter.add.f32 [tilespmem:s10], [sflag:$0x2], $0x50, s28, s31, $0xb8;
	[tilespmem:$0x10840] =	vst v63  }
0x62: {  	_ =	swait.ge [sflag:s9], $0xA000  }
0x63: {  	[sflag:s9] =	ssyncset.done $0x0  }
0x64: {  	[sflag:s9] =	ssyncadd.s32 $0xFFFF6000  }
0x65: {  	s29 =	simm.s32 $0xD000;
	[bflag:$0x0] =	sbarrier.arrive $0xFFFF  }
0x66: {  	[tilespmem:s29], [sflag:$0x2] =	stream.linear.gather [spmem:s7], $0x1400, $0x38;
	[tilespmem:$0x10840] =	vst v63  }
0x67: {  	_ =	swait.ge [sflag:s9], $0x1400  }
0x68: {  	[sflag:s9] =	ssyncset.done $0x0  }
0x69: {  	s30 =	simm.s32 $0xC000;
	[sflag:s9] =	ssyncadd.s32 $0xFFFFEC00  }
0x6a: {  	[tilespmem:s30], [sflag:$0x2] =	stream.linear.gather [hbm4b:s6+s3], $0x1000, $0x38;
	[tilespmem:$0x10840] =	vst v63  }
0x6b: {  	_ =	swait.ge [sflag:s9], $0x1000  }
0x6c: {  	[sflag:s9] =	ssyncset.done $0x0  }
0x6d: {  	s31 =	simm.s32 $0xF400;
	[sflag:s9] =	ssyncadd.s32 $0xFFFFF000  }
0x6e: {  	[tilespmem:s31], [sflag:$0x2] =	stream.linear.gather [hbm4b:s4+s3], $0x40, $0x38;
	[tilespmem:$0x10840] =	vst v63  }
0x6f: {  	_ =	swait.ge [sflag:s9], $0x40  }
0x70: {  	[sflag:s9] =	ssyncset.done $0x0  }
0x71: {  	s4 =	simm.s32 $0xD020;
	[sflag:s9] =	ssyncadd.s32 $0xFFFFFFC0  }
0x72: {  	v0 =	vimm.s32 $0x0;
	s5 =	simm.s32 $0x100;
	v1 =	vld [tilespmem:s4+$0x20]  }
.LBB2_4:
0x73: {  	p0 =	sne.s32 s5, $0x3F00;
	v2 =	vld [tilespmem:s4+$0xFFFFFFE0]  }
0x74: {  	v3 =	vld [tilespmem:$0xF400];
	_ =	sdelay $0x2  }
0x75: {  	v1 =	vperm.xlane v1, v0;
	_ =	sdelay $0x1  }
0x76: {  	v1 =	vmax.f32 v1, $1.000000000e+00  }
0x77: {  	(erf) = vrcp.f32 v1;
	_ =	sdelay $0x5  }
0x78: {  	s6 =	sshra.s32 s3, $0x2;
	s3 =	smov.u32 s5  }
0x79: {  	v1 =	vld [tilespmem:s6+$0xC000];
	_ =	sdelay $0x1  }
0x7a: {  	v4 =	vpop (erf)  }
0x7b: {  	v2 =	vmul.f32 v4, v2;
	_ =	sdelay $0x1  }
0x7c: {  	v1 =	vadd.f32 v2, v1;
	_ =	sdelay $0x1  }
0x7d: {  	v1 =	vadd.f32 v1, v3;
	_ =	sdelay $0x1  }
0x7e: {  	[tilespmem:s6+$0xE400] =	vst v1  }
0x7f: {  	v1 =	vld [tilespmem:s4+$0xFFFFFFF0];
	_ =	sdelay $0x1  }
0x80: {  	v2 =	vld [tilespmem:s6+$0xC010];
	_ =	sdelay $0x1  }
0x81: {  	v3 =	vld [tilespmem:$0xF410]  }
0x82: {  	v1 =	vmul.f32 v1, v4;
	_ =	sdelay $0x1  }
0x83: {  	v1 =	vadd.f32 v1, v2;
	_ =	sdelay $0x1  }
0x84: {  	v1 =	vadd.f32 v1, v3;
	_ =	sdelay $0x1  }
0x85: {  	[tilespmem:s6+$0xE410] =	vst v1  }
0x86: {  	v1 =	vld [tilespmem:s4+$0x0];
	_ =	sdelay $0x1  }
0x87: {  	v2 =	vld [tilespmem:s6+$0xC020];
	_ =	sdelay $0x1  }
0x88: {  	v3 =	vld [tilespmem:$0xF420]  }
0x89: {  	v1 =	vmul.f32 v1, v4;
	_ =	sdelay $0x1  }
0x8a: {  	v1 =	vadd.f32 v1, v2;
	_ =	sdelay $0x1  }
0x8b: {  	v1 =	vadd.f32 v1, v3;
	_ =	sdelay $0x1  }
0x8c: {  	[tilespmem:s6+$0xE420] =	vst v1  }
0x8d: {  	v1 =	vld [tilespmem:s4+$0x10]  }
0x8e: {  	v2 =	vld [tilespmem:$0xF430]  }
0x8f: {  	v3 =	vld [tilespmem:s6+$0xC030];
	_ =	sdelay $0x2  }
0x90: {  	v1 =	vmul.f32 v1, v4;
	_ =	sdelay $0x1  }
0x91: {  	v1 =	vadd.f32 v1, v3  }
.Ltmp2:
0x92: {  	(pc) =	sbr.rel @p0 .LBB2_4-.Ltmp2, $3  }
0x93: {  	v1 =	vadd.f32 v1, v2;
	_ =	sdelay $0x1  }
0x94: {  	s4 =	sadd.s32 $0x50, s4;
	[tilespmem:s6+$0xE430] =	vst v1  }
0x95: {  	s5 =	sadd.s32 $0x100, s5;
	v1 =	vld [tilespmem:s4+$0x20]  }
0x96: {  	_ =	sdelay $0x3  }
0x97: {  	v0 =	vperm.xlane v1, v0;
	_ =	sdelay $0x1  }
0x98: {  	v0 =	vmax.f32 v0, $1.000000000e+00  }
0x99: {  	(erf) = vrcp.f32 v0;
	_ =	sdelay $0x4  }
0x9a: {  	v56 =	vld [tilespmem:s4+$0xFFFFFFE0]  }
0x9b: {  	s3 =	sshra.s32 s3, $0x2  }
0x9c: {  	v57 =	vld [tilespmem:s3+$0xC000];
	_ =	sdelay $0x1  }
0x9d: {  	v2 =	vld [tilespmem:$0xF400];
	v3 =	vpop (erf)  }
0x9e: {  	v0 =	vmul.f32 v3, v56;
	_ =	sdelay $0x1  }
0x9f: {  	v0 =	vadd.f32 v0, v57;
	_ =	sdelay $0x1  }
0xa0: {  	v0 =	vadd.f32 v0, v2;
	_ =	sdelay $0x1  }
0xa1: {  	[tilespmem:s3+$0xE400] =	vst v0  }
0xa2: {  	v0 =	vld [tilespmem:s4+$0xFFFFFFF0];
	_ =	sdelay $0x1  }
0xa3: {  	v58 =	vld [tilespmem:s3+$0xC010];
	_ =	sdelay $0x1  }
0xa4: {  	v59 =	vld [tilespmem:$0xF410]  }
0xa5: {  	v0 =	vmul.f32 v0, v3;
	_ =	sdelay $0x1  }
0xa6: {  	v0 =	vadd.f32 v0, v58;
	_ =	sdelay $0x1  }
0xa7: {  	v0 =	vadd.f32 v0, v59;
	_ =	sdelay $0x1  }
0xa8: {  	[tilespmem:s3+$0xE410] =	vst v0  }
0xa9: {  	v0 =	vld [tilespmem:s4+$0x0];
	_ =	sdelay $0x1  }
0xaa: {  	v60 =	vld [tilespmem:s3+$0xC020];
	_ =	sdelay $0x1  }
0xab: {  	v61 =	vld [tilespmem:$0xF420]  }
0xac: {  	v0 =	vmul.f32 v0, v3;
	_ =	sdelay $0x1  }
0xad: {  	v0 =	vadd.f32 v0, v60;
	_ =	sdelay $0x1  }
0xae: {  	v0 =	vadd.f32 v0, v61;
	_ =	sdelay $0x1  }
0xaf: {  	[tilespmem:s3+$0xE420] =	vst v0  }
0xb0: {  	v0 =	vld [tilespmem:s4+$0x10];
	_ =	sdelay $0x1  }
0xb1: {  	v62 =	vld [tilespmem:s3+$0xC030];
	_ =	sdelay $0x1  }
0xb2: {  	v63 =	vld [tilespmem:$0xF430]  }
0xb3: {  	v0 =	vmul.f32 v0, v3;
	_ =	sdelay $0x1  }
0xb4: {  	v0 =	vadd.f32 v0, v62;
	_ =	sdelay $0x1  }
0xb5: {  	v0 =	vadd.f32 v0, v63;
	_ =	sdelay $0x1  }
0xb6: {  	s29 =	simm.s32 $0x0;
	s30 =	simm.s32 $0xE400;
	s31 =	simm.s32 $0x2;
	[tilespmem:s3+$0xE430] =	vst v0  }
0xb7: {  	[hbm4b:s2+s29] =	stream.linear.scatter [tilespmem:s30], [sflag:$0x2], $0x1000, $0x38;
	[tilespmem:$0x10840] =	vst v63  }
0xb8: {  	_ =	swait.ge [sflag:s31], $0x1000  }
0xb9: {  	[sflag:s31] =	ssyncset.done $0x0  }
0xba: {  	[sflag:s31] =	ssyncadd.s32 $0xFFFFF000  }
.LBB2_6:
0xbb: {  	_ =	sfence.sel $0x180000  }
0xbc: {  	[bflag:$0x0] =	sbarrier.arrive $0xFFFF  }
0xbd: {  	p0 =	sne.s32 s1, $0x0;
	_ =	strace $0x9000004A  }
0xbe: {  	s0 =	sadd.s32 @!p0 $0x100000, s0;
	[bflag:$0x2] =	sbarrier.arrive $0xFFFF  }
0xbf: {  	[sflag:s0] =	ssyncadd.tile.s32 @!p0 $0x1;
	_ =	shalt  }
.Lfunc_end2:
_tile_overlayer_lowered:
.L_overlay_start_2:
0xc0: {  	(tag) =	ssettag $0x2  }
0xc1: {  	s0 =	rddreg [dreg:$0x0];
	s2 =	stileid.u32  }
0xc2: {  	s1 =	rddreg [dreg:$0x1];
	p0 =	sne.s32 s2, $0x0  }
0xc3: {  	s3 =	rddreg [dreg:$0x2];
	[bflag:$0x3] =	sbarrier.arrive $0xFFFF;
	s2 =	simm.s32 @!p0 $0x1C02  }
0xc4: {  	[timem:s3], [sflag:s2] =	dma.local @!p0 [hbm:s0], s1  }
0xc5: {  	s0 =	simm.s32 @!p0 $0x2  }
0xc6: {  	_ =	swait.ge @!p0 [sflag:s0], s1  }
0xc7: {  	s1 =	ssub.s32 @!p0 $0x0, s1;
	[sflag:s0] =	ssyncset.done @!p0 $0x0  }
0xc8: {  	[sflag:s0] =	ssyncadd.s32 @!p0 s1  }
0xc9: {  	[bflag:$0x3] =	sbarrier.arrive $0xFFFF  }
0xca: {  	_ =	shalt  }

</sc_bundles>
